<compile_context>
chip_gen: v7x
topology: tpu7x:2x2x1
jax: 0.10.2.dev20260603
libtpu: 0.0.44.dev20260713+nightly
codegen_flags: <defaults>
</compile_context>

<pallas_src>
import functools

import jax
import jax.numpy as jnp
from jax import lax
from jax.experimental import pallas as pl
from jax.experimental.pallas import tpu as pltpu
from jax.experimental.pallas import tpu_sc as plsc

K = 8192
D = 256
N = 8192
BETA = 0.25
BK = 1024
KT = K // BK
BNO = 256
NTO = N // BNO


def _argmin_kernel(flat_ref, emb_ref, idx_ref, iota_ref):
    k = pl.program_id(0)

    @pl.when(k == 0)
    def _init():
        f = flat_ref[:]
        idx_ref[:, 2 * KT:2 * KT + 1] = jnp.sum(f * f, axis=1, keepdims=True)
        iota_ref[:] = jax.lax.broadcasted_iota(
            jnp.int32, (1, BK), 1).astype(jnp.float32)

    e = emb_ref[:]
    mm2 = jax.lax.dot_general(flat_ref[:].astype(jnp.bfloat16),
                              (e * -2.0).astype(jnp.bfloat16),
                              (((1,), (1,)), ((), ())),
                              preferred_element_type=jnp.float32)
    e2 = jnp.sum(e * e, axis=1)[None, :]
    dist = (idx_ref[:, 2 * KT:2 * KT + 1] + mm2) + e2
    tmin = jnp.min(dist, axis=1, keepdims=True)
    kbase = (k * BK).astype(jnp.float32)
    tidx = jnp.min(jnp.where(dist == tmin, iota_ref[:], float(K)), axis=1,
                   keepdims=True) + kbase

    for kk in range(KT):
        @pl.when(k == kk)
        def _store(kk=kk):
            idx_ref[:, kk:kk + 1] = tmin
            idx_ref[:, KT + kk:KT + kk + 1] = tidx


def _combine_kernel(acc_ref, idx_ref):
    h = KT // 2
    v0 = acc_ref[:, 0:h]
    v1 = acc_ref[:, h:KT]
    i0 = acc_ref[:, KT:KT + h]
    i1 = acc_ref[:, KT + h:2 * KT]
    m0 = jnp.min(v0, axis=1, keepdims=True)
    m1 = jnp.min(v1, axis=1, keepdims=True)
    a0 = jnp.min(jnp.where(v0 == m0, i0, float(K)), axis=1, keepdims=True)
    a1 = jnp.min(jnp.where(v1 == m1, i1, float(K)), axis=1, keepdims=True)
    m0_bf16 = m0.astype(jnp.bfloat16).astype(jnp.float32)
    take1 = m1 < m0_bf16
    idx_ref[:] = jnp.where(take1, a1, a0).astype(jnp.int32)


def _onehot_kernel(idx_ref, oh_ref, counts_ref, csum_ref, iota_ref):
    r = pl.program_id(0)

    @pl.when(r == 0)
    def _iinit():
        iota_ref[:] = jax.lax.broadcasted_iota(jnp.int32, (1, K), 1)

    oh = (iota_ref[:] == idx_ref[:]).astype(jnp.float32)
    oh_ref[:] = oh

    @pl.when(r == 0)
    def _init():
        csum_ref[:] = jnp.zeros((1, K), jnp.float32)

    csum_ref[:] = csum_ref[:] + jnp.sum(oh, axis=0, keepdims=True)

    @pl.when(r == NTO - 1)
    def _emit():
        counts_ref[:] = csum_ref[:]


_SC_INFO = plsc.get_sparse_core_info()
_NW = _SC_INFO.num_cores * _SC_INFO.num_subcores
_BPW = N // _NW
_CH = 64


def _zq_gather_kernel(emb_hbm, idx_hbm, out_hbm, idx_v, rows_v, sem):
    wid = lax.axis_index("s") * _SC_INFO.num_cores + lax.axis_index("c")
    base = wid * _BPW
    for c in range(_BPW // _CH):
        off = base + c * _CH
        pltpu.sync_copy(idx_hbm.at[pl.ds(off, _CH)], idx_v)
        pltpu.async_copy(emb_hbm.at[idx_v], rows_v, sem).wait()
        pltpu.sync_copy(rows_v, out_hbm.at[pl.ds(off, _CH)])


def _finish_kernel(flat_ref, zq_ref, counts_ref, loss_ref, ppx_ref, zqout_ref):
    f = flat_ref[:]
    q = zq_ref[:]
    d = q - f
    m = jnp.mean(d * d)
    loss_ref[:] = (m + BETA * m).reshape(1, 1)
    zqout_ref[:] = f + (q - f)
    p = counts_ref[:] * (1.0 / N)
    ent = jnp.sum(p * jnp.log(p + 1e-10))
    ppx_ref[:] = jnp.exp(-ent).reshape(1, 1)


@functools.partial(jax.jit, static_argnames=())
def kernel(latents, embedding):
    lat = jnp.transpose(latents, (0, 2, 3, 1))
    flat = lat.reshape(-1, D)

    tiles = pl.pallas_call(
        _argmin_kernel,
        grid=(KT,),
        in_specs=[
            pl.BlockSpec((N, D), lambda k: (0, 0)),
            pl.BlockSpec((BK, D), lambda k: (k, 0)),
        ],
        out_specs=pl.BlockSpec((N, 2 * KT + 1), lambda k: (0, 0)),
        out_shape=jax.ShapeDtypeStruct((N, 2 * KT + 1), jnp.float32),
        scratch_shapes=[
            pltpu.VMEM((1, BK), jnp.float32),
        ],
    )(flat, embedding)

    idx = pl.pallas_call(
        _combine_kernel,
        in_specs=[pl.BlockSpec((N, 2 * KT + 1), lambda: (0, 0))],
        out_specs=pl.BlockSpec((N, 1), lambda: (0, 0)),
        out_shape=jax.ShapeDtypeStruct((N, 1), jnp.int32),
    )(tiles)

    zq = pl.kernel(
        _zq_gather_kernel,
        mesh=plsc.VectorSubcoreMesh(core_axis_name="c", subcore_axis_name="s"),
        out_type=jax.ShapeDtypeStruct((N, D), jnp.float32),
        scratch_types=[
            pltpu.VMEM((_CH,), jnp.int32),
            pltpu.VMEM((_CH, D), jnp.float32),
            pltpu.SemaphoreType.DMA,
        ],
    )(embedding, idx.reshape(N))

    min_embed, counts = pl.pallas_call(
        _onehot_kernel,
        grid=(NTO,),
        in_specs=[
            pl.BlockSpec((BNO, 1), lambda r: (r, 0)),
        ],
        out_specs=[
            pl.BlockSpec((BNO, K), lambda r: (r, 0)),
            pl.BlockSpec((1, K), lambda r: (0, 0)),
        ],
        out_shape=[
            jax.ShapeDtypeStruct((N, K), jnp.float32),
            jax.ShapeDtypeStruct((1, K), jnp.float32),
        ],
        scratch_shapes=[pltpu.VMEM((1, K), jnp.float32),
                        pltpu.VMEM((1, K), jnp.int32)],
    )(idx)

    loss, ppx, zq_out = pl.pallas_call(
        _finish_kernel,
        in_specs=[
            pl.BlockSpec((N, D), lambda: (0, 0)),
            pl.BlockSpec((N, D), lambda: (0, 0)),
            pl.BlockSpec((1, K), lambda: (0, 0)),
        ],
        out_specs=[
            pl.BlockSpec((1, 1), lambda: (0, 0)),
            pl.BlockSpec((1, 1), lambda: (0, 0)),
            pl.BlockSpec((N, D), lambda: (0, 0)),
        ],
        out_shape=[
            jax.ShapeDtypeStruct((1, 1), jnp.float32),
            jax.ShapeDtypeStruct((1, 1), jnp.float32),
            jax.ShapeDtypeStruct((N, D), jnp.float32),
        ],
    )(flat, zq, counts)

    z_q = jnp.transpose(zq_out.reshape(lat.shape), (0, 3, 1, 2))
    return (loss.reshape(()), z_q, ppx.reshape(()), min_embed, idx)

# --- scband reference (transcript-rebuilt; emitter-appended) ---
"""Pipeline reference for scband-vector-quantizer-1168231104699 (READ-ONLY COPY).

The authoritative reference and input builder live on the scoring server;
editing this copy changes nothing except your own understanding.
"""

import jax, jax.numpy as jnp
import numpy as np

K = 8192
D = 256
BETA = 0.25

def setup_inputs(seed: int = 0) -> dict:
    key = jax.random.key(seed)
    k1, k2 = jax.random.split(key)
    latents = jax.random.normal(k1, (8, 256, 32, 32), dtype=jnp.float32)
    embedding = jax.random.uniform(k2, (K, D), dtype=jnp.float32, minval=-1.0 / K, maxval=1.0 / K)
    return {"latents": latents, "embedding": embedding}

def reference(latents, embedding):
    lat = jnp.transpose(latents, (0, 2, 3, 1))
    latents_shape = lat.shape
    flat = lat.reshape(-1, D)
    dist = (jnp.sum(flat ** 2, axis=1, keepdims=True)
            - 2.0 * jnp.matmul(flat, embedding.T)
            + jnp.sum(embedding ** 2, axis=1))
    min_embed_ind = jnp.argmin(dist, axis=1)[:, None]
    n = flat.shape[0]
    min_embed = jnp.zeros((n, K), dtype=flat.dtype).at[jnp.arange(n), min_embed_ind[:, 0]].set(1.0)
    z_q = jnp.matmul(min_embed, embedding).reshape(latents_shape)
    loss = (jnp.mean((jax.lax.stop_gradient(z_q) - lat) ** 2)
            + BETA * jnp.mean((z_q - jax.lax.stop_gradient(lat)) ** 2))
    z_q = lat + jax.lax.stop_gradient(z_q - lat)
    e_mean = jnp.mean(min_embed, axis=0)
    perplexity = jnp.exp(-jnp.sum(e_mean * jnp.log(e_mean + 1e-10)))
    z_q = jnp.transpose(z_q, (0, 3, 1, 2))
    return (loss, z_q, perplexity, min_embed, min_embed_ind)

if __name__ == "__main__":
    import jax
    _d = setup_inputs()
    print(jax.jit(kernel)(*tuple(_d.values())))

</pallas_src>

<mosaic_0001>
#map = affine_map<(d0, d1) -> (0, 0)>
#map1 = affine_map<(d0, d1) -> (0)>
module attributes {stable_mosaic.version = 14 : i64} {
  func.func @_zq_gather_kernel(%arg0: i32, %arg1: i32, %arg2: memref<8192x256xf32, #tpu.memory_space<hbm>>, %arg3: memref<8192xi32, #tpu.memory_space<hbm>>, %arg4: memref<8192x256xf32, #tpu.memory_space<hbm>>, %arg5: memref<64xi32, #tpu.memory_space<vmem>>, %arg6: memref<64x256xf32, #tpu.memory_space<vmem>>, %arg7: memref<!tpu.dma_semaphore, #tpu.memory_space<semaphore_mem>>) attributes {dimension_semantics = [#tpu.dimension_semantics<core_parallel>, #tpu.dimension_semantics<subcore_parallel>], iteration_bounds = array<i64: 2, 16>, scalar_prefetch = 0 : i64, scratch_operands = 3 : i64, tpu.core_type = #tpu.core_type<sc_vector_subcore>, window_params = [{transform_indices = #map}, {transform_indices = #map1}, {transform_indices = #map}]} {
    %mul3A = arith.constant 2 : i32
    %mul3A_0 = arith.muli %arg1, %mul3A : i32
    %add3A = arith.addi %mul3A_0, %arg0 : i32
    %mul3A_1 = arith.constant 256 : i32
    %mul3A_2 = arith.muli %add3A, %mul3A_1 : i32
    %add3A_3 = arith.constant 0 : i32
    %add3A_4 = arith.addi %mul3A_2, %add3A_3 : i32
    "tpu.region"() ({
      %run_scoped3A = tpu.sem_alloc : memref<!tpu.dma_semaphore, #tpu.memory_space<semaphore_mem>>
      %dma_start3A_33 = tpu.memref_slice %arg3[%add3A_4] : memref<8192xi32, #tpu.memory_space<hbm>> -> memref<64xi32, #tpu.memory_space<hbm>>
      %dma_start3A_34 = tpu.memref_slice %arg3[%add3A_4] : memref<8192xi32, #tpu.memory_space<hbm>> -> memref<64xi32, #tpu.memory_space<hbm>>
      tpu.enqueue_dma source(%dma_start3A_34 : memref<64xi32, #tpu.memory_space<hbm>>) target(%arg5 : memref<64xi32, #tpu.memory_space<vmem>>) target_semaphore(%run_scoped3A : memref<!tpu.dma_semaphore, #tpu.memory_space<semaphore_mem>>)
      %dma_wait3A_35 = tpu.memref_slice %arg3[%add3A_4] : memref<8192xi32, #tpu.memory_space<hbm>> -> memref<64xi32, #tpu.memory_space<hbm>>
      %dma_wait3A_36 = tpu.memref_slice %arg3[%add3A_4] : memref<8192xi32, #tpu.memory_space<hbm>> -> memref<64xi32, #tpu.memory_space<hbm>>
      tpu.wait_dma2 semaphore(%run_scoped3A : memref<!tpu.dma_semaphore, #tpu.memory_space<semaphore_mem>>) src(%dma_wait3A_36 : memref<64xi32, #tpu.memory_space<hbm>>) dst(%arg5 : memref<64xi32, #tpu.memory_space<vmem>>)
      tpu.yield
    }) : () -> ()
    %dma_start3A = arith.constant 0 : i32
    %dma_start3A_5 = arith.constant 0 : i32
    %dma_start3A_6 = tpu.memref_slice %arg2[%dma_start3A, %dma_start3A_5] : memref<8192x256xf32, #tpu.memory_space<hbm>> -> memref<8192x256xf32, #tpu.memory_space<hbm>>
    tpu.enqueue_indirect_dma source(%dma_start3A_6 : memref<8192x256xf32, #tpu.memory_space<hbm>>) target(%arg6 : memref<64x256xf32, #tpu.memory_space<vmem>>) offsets(%arg5 : memref<64xi32, #tpu.memory_space<vmem>>) semaphore(%arg7 : memref<!tpu.dma_semaphore, #tpu.memory_space<semaphore_mem>>)
    %dma_wait3A = arith.constant 0 : i32
    %dma_wait3A_7 = arith.constant 0 : i32
    %dma_wait3A_8 = tpu.memref_slice %arg2[%dma_wait3A, %dma_wait3A_7] : memref<8192x256xf32, #tpu.memory_space<hbm>> -> memref<8192x256xf32, #tpu.memory_space<hbm>>
    tpu.wait_indirect_dma semaphore(%arg7 : memref<!tpu.dma_semaphore, #tpu.memory_space<semaphore_mem>>) src(%dma_wait3A_8 : memref<8192x256xf32, #tpu.memory_space<hbm>>) dst(%arg6 : memref<64x256xf32, #tpu.memory_space<vmem>>)
    "tpu.region"() ({
      %run_scoped3A = tpu.sem_alloc : memref<!tpu.dma_semaphore, #tpu.memory_space<semaphore_mem>>
      %dma_start3A_33 = arith.constant 0 : i32
      %dma_start3A_34 = tpu.memref_slice %arg4[%add3A_4, %dma_start3A_33] : memref<8192x256xf32, #tpu.memory_space<hbm>> -> memref<64x256xf32, #tpu.memory_space<hbm>>
      %dma_start3A_35 = arith.constant 0 : i32
      %dma_start3A_36 = tpu.memref_slice %arg4[%add3A_4, %dma_start3A_35] : memref<8192x256xf32, #tpu.memory_space<hbm>> -> memref<64x256xf32, #tpu.memory_space<hbm>>
      tpu.enqueue_dma source(%arg6 : memref<64x256xf32, #tpu.memory_space<vmem>>) target(%dma_start3A_36 : memref<64x256xf32, #tpu.memory_space<hbm>>) target_semaphore(%run_scoped3A : memref<!tpu.dma_semaphore, #tpu.memory_space<semaphore_mem>>)
      %dma_wait3A_37 = arith.constant 0 : i32
      %dma_wait3A_38 = tpu.memref_slice %arg4[%add3A_4, %dma_wait3A_37] : memref<8192x256xf32, #tpu.memory_space<hbm>> -> memref<64x256xf32, #tpu.memory_space<hbm>>
      %dma_wait3A_39 = arith.constant 0 : i32
      %dma_wait3A_40 = tpu.memref_slice %arg4[%add3A_4, %dma_wait3A_39] : memref<8192x256xf32, #tpu.memory_space<hbm>> -> memref<64x256xf32, #tpu.memory_space<hbm>>
      tpu.wait_dma2 semaphore(%run_scoped3A : memref<!tpu.dma_semaphore, #tpu.memory_space<semaphore_mem>>) src(%arg6 : memref<64x256xf32, #tpu.memory_space<vmem>>) dst(%dma_wait3A_40 : memref<64x256xf32, #tpu.memory_space<hbm>>)
      tpu.yield
    }) : () -> ()
    %add3A_9 = arith.constant 64 : i32
    %add3A_10 = arith.addi %mul3A_2, %add3A_9 : i32
    "tpu.region"() ({
      %run_scoped3A = tpu.sem_alloc : memref<!tpu.dma_semaphore, #tpu.memory_space<semaphore_mem>>
      %dma_start3A_33 = tpu.memref_slice %arg3[%add3A_10] : memref<8192xi32, #tpu.memory_space<hbm>> -> memref<64xi32, #tpu.memory_space<hbm>>
      %dma_start3A_34 = tpu.memref_slice %arg3[%add3A_10] : memref<8192xi32, #tpu.memory_space<hbm>> -> memref<64xi32, #tpu.memory_space<hbm>>
      tpu.enqueue_dma source(%dma_start3A_34 : memref<64xi32, #tpu.memory_space<hbm>>) target(%arg5 : memref<64xi32, #tpu.memory_space<vmem>>) target_semaphore(%run_scoped3A : memref<!tpu.dma_semaphore, #tpu.memory_space<semaphore_mem>>)
      %dma_wait3A_35 = tpu.memref_slice %arg3[%add3A_10] : memref<8192xi32, #tpu.memory_space<hbm>> -> memref<64xi32, #tpu.memory_space<hbm>>
      %dma_wait3A_36 = tpu.memref_slice %arg3[%add3A_10] : memref<8192xi32, #tpu.memory_space<hbm>> -> memref<64xi32, #tpu.memory_space<hbm>>
      tpu.wait_dma2 semaphore(%run_scoped3A : memref<!tpu.dma_semaphore, #tpu.memory_space<semaphore_mem>>) src(%dma_wait3A_36 : memref<64xi32, #tpu.memory_space<hbm>>) dst(%arg5 : memref<64xi32, #tpu.memory_space<vmem>>)
      tpu.yield
    }) : () -> ()
    %dma_start3A_11 = arith.constant 0 : i32
    %dma_start3A_12 = arith.constant 0 : i32
    %dma_start3A_13 = tpu.memref_slice %arg2[%dma_start3A_11, %dma_start3A_12] : memref<8192x256xf32, #tpu.memory_space<hbm>> -> memref<8192x256xf32, #tpu.memory_space<hbm>>
    tpu.enqueue_indirect_dma source(%dma_start3A_13 : memref<8192x256xf32, #tpu.memory_space<hbm>>) target(%arg6 : memref<64x256xf32, #tpu.memory_space<vmem>>) offsets(%arg5 : memref<64xi32, #tpu.memory_space<vmem>>) semaphore(%arg7 : memref<!tpu.dma_semaphore, #tpu.memory_space<semaphore_mem>>)
    %dma_wait3A_14 = arith.constant 0 : i32
    %dma_wait3A_15 = arith.constant 0 : i32
    %dma_wait3A_16 = tpu.memref_slice %arg2[%dma_wait3A_14, %dma_wait3A_15] : memref<8192x256xf32, #tpu.memory_space<hbm>> -> memref<8192x256xf32, #tpu.memory_space<hbm>>
    tpu.wait_indirect_dma semaphore(%arg7 : memref<!tpu.dma_semaphore, #tpu.memory_space<semaphore_mem>>) src(%dma_wait3A_16 : memref<8192x256xf32, #tpu.memory_space<hbm>>) dst(%arg6 : memref<64x256xf32, #tpu.memory_space<vmem>>)
    "tpu.region"() ({
      %run_scoped3A = tpu.sem_alloc : memref<!tpu.dma_semaphore, #tpu.memory_space<semaphore_mem>>
      %dma_start3A_33 = arith.constant 0 : i32
      %dma_start3A_34 = tpu.memref_slice %arg4[%add3A_10, %dma_start3A_33] : memref<8192x256xf32, #tpu.memory_space<hbm>> -> memref<64x256xf32, #tpu.memory_space<hbm>>
      %dma_start3A_35 = arith.constant 0 : i32
      %dma_start3A_36 = tpu.memref_slice %arg4[%add3A_10, %dma_start3A_35] : memref<8192x256xf32, #tpu.memory_space<hbm>> -> memref<64x256xf32, #tpu.memory_space<hbm>>
      tpu.enqueue_dma source(%arg6 : memref<64x256xf32, #tpu.memory_space<vmem>>) target(%dma_start3A_36 : memref<64x256xf32, #tpu.memory_space<hbm>>) target_semaphore(%run_scoped3A : memref<!tpu.dma_semaphore, #tpu.memory_space<semaphore_mem>>)
      %dma_wait3A_37 = arith.constant 0 : i32
      %dma_wait3A_38 = tpu.memref_slice %arg4[%add3A_10, %dma_wait3A_37] : memref<8192x256xf32, #tpu.memory_space<hbm>> -> memref<64x256xf32, #tpu.memory_space<hbm>>
      %dma_wait3A_39 = arith.constant 0 : i32
      %dma_wait3A_40 = tpu.memref_slice %arg4[%add3A_10, %dma_wait3A_39] : memref<8192x256xf32, #tpu.memory_space<hbm>> -> memref<64x256xf32, #tpu.memory_space<hbm>>
      tpu.wait_dma2 semaphore(%run_scoped3A : memref<!tpu.dma_semaphore, #tpu.memory_space<semaphore_mem>>) src(%arg6 : memref<64x256xf32, #tpu.memory_space<vmem>>) dst(%dma_wait3A_40 : memref<64x256xf32, #tpu.memory_space<hbm>>)
      tpu.yield
    }) : () -> ()
    %add3A_17 = arith.constant 128 : i32
    %add3A_18 = arith.addi %mul3A_2, %add3A_17 : i32
    "tpu.region"() ({
      %run_scoped3A = tpu.sem_alloc : memref<!tpu.dma_semaphore, #tpu.memory_space<semaphore_mem>>
      %dma_start3A_33 = tpu.memref_slice %arg3[%add3A_18] : memref<8192xi32, #tpu.memory_space<hbm>> -> memref<64xi32, #tpu.memory_space<hbm>>
      %dma_start3A_34 = tpu.memref_slice %arg3[%add3A_18] : memref<8192xi32, #tpu.memory_space<hbm>> -> memref<64xi32, #tpu.memory_space<hbm>>
      tpu.enqueue_dma source(%dma_start3A_34 : memref<64xi32, #tpu.memory_space<hbm>>) target(%arg5 : memref<64xi32, #tpu.memory_space<vmem>>) target_semaphore(%run_scoped3A : memref<!tpu.dma_semaphore, #tpu.memory_space<semaphore_mem>>)
      %dma_wait3A_35 = tpu.memref_slice %arg3[%add3A_18] : memref<8192xi32, #tpu.memory_space<hbm>> -> memref<64xi32, #tpu.memory_space<hbm>>
      %dma_wait3A_36 = tpu.memref_slice %arg3[%add3A_18] : memref<8192xi32, #tpu.memory_space<hbm>> -> memref<64xi32, #tpu.memory_space<hbm>>
      tpu.wait_dma2 semaphore(%run_scoped3A : memref<!tpu.dma_semaphore, #tpu.memory_space<semaphore_mem>>) src(%dma_wait3A_36 : memref<64xi32, #tpu.memory_space<hbm>>) dst(%arg5 : memref<64xi32, #tpu.memory_space<vmem>>)
      tpu.yield
    }) : () -> ()
    %dma_start3A_19 = arith.constant 0 : i32
    %dma_start3A_20 = arith.constant 0 : i32
    %dma_start3A_21 = tpu.memref_slice %arg2[%dma_start3A_19, %dma_start3A_20] : memref<8192x256xf32, #tpu.memory_space<hbm>> -> memref<8192x256xf32, #tpu.memory_space<hbm>>
    tpu.enqueue_indirect_dma source(%dma_start3A_21 : memref<8192x256xf32, #tpu.memory_space<hbm>>) target(%arg6 : memref<64x256xf32, #tpu.memory_space<vmem>>) offsets(%arg5 : memref<64xi32, #tpu.memory_space<vmem>>) semaphore(%arg7 : memref<!tpu.dma_semaphore, #tpu.memory_space<semaphore_mem>>)
    %dma_wait3A_22 = arith.constant 0 : i32
    %dma_wait3A_23 = arith.constant 0 : i32
    %dma_wait3A_24 = tpu.memref_slice %arg2[%dma_wait3A_22, %dma_wait3A_23] : memref<8192x256xf32, #tpu.memory_space<hbm>> -> memref<8192x256xf32, #tpu.memory_space<hbm>>
    tpu.wait_indirect_dma semaphore(%arg7 : memref<!tpu.dma_semaphore, #tpu.memory_space<semaphore_mem>>) src(%dma_wait3A_24 : memref<8192x256xf32, #tpu.memory_space<hbm>>) dst(%arg6 : memref<64x256xf32, #tpu.memory_space<vmem>>)
    "tpu.region"() ({
      %run_scoped3A = tpu.sem_alloc : memref<!tpu.dma_semaphore, #tpu.memory_space<semaphore_mem>>
      %dma_start3A_33 = arith.constant 0 : i32
      %dma_start3A_34 = tpu.memref_slice %arg4[%add3A_18, %dma_start3A_33] : memref<8192x256xf32, #tpu.memory_space<hbm>> -> memref<64x256xf32, #tpu.memory_space<hbm>>
      %dma_start3A_35 = arith.constant 0 : i32
      %dma_start3A_36 = tpu.memref_slice %arg4[%add3A_18, %dma_start3A_35] : memref<8192x256xf32, #tpu.memory_space<hbm>> -> memref<64x256xf32, #tpu.memory_space<hbm>>
      tpu.enqueue_dma source(%arg6 : memref<64x256xf32, #tpu.memory_space<vmem>>) target(%dma_start3A_36 : memref<64x256xf32, #tpu.memory_space<hbm>>) target_semaphore(%run_scoped3A : memref<!tpu.dma_semaphore, #tpu.memory_space<semaphore_mem>>)
      %dma_wait3A_37 = arith.constant 0 : i32
      %dma_wait3A_38 = tpu.memref_slice %arg4[%add3A_18, %dma_wait3A_37] : memref<8192x256xf32, #tpu.memory_space<hbm>> -> memref<64x256xf32, #tpu.memory_space<hbm>>
      %dma_wait3A_39 = arith.constant 0 : i32
      %dma_wait3A_40 = tpu.memref_slice %arg4[%add3A_18, %dma_wait3A_39] : memref<8192x256xf32, #tpu.memory_space<hbm>> -> memref<64x256xf32, #tpu.memory_space<hbm>>
      tpu.wait_dma2 semaphore(%run_scoped3A : memref<!tpu.dma_semaphore, #tpu.memory_space<semaphore_mem>>) src(%arg6 : memref<64x256xf32, #tpu.memory_space<vmem>>) dst(%dma_wait3A_40 : memref<64x256xf32, #tpu.memory_space<hbm>>)
      tpu.yield
    }) : () -> ()
    %add3A_25 = arith.constant 192 : i32
    %add3A_26 = arith.addi %mul3A_2, %add3A_25 : i32
    "tpu.region"() ({
      %run_scoped3A = tpu.sem_alloc : memref<!tpu.dma_semaphore, #tpu.memory_space<semaphore_mem>>
      %dma_start3A_33 = tpu.memref_slice %arg3[%add3A_26] : memref<8192xi32, #tpu.memory_space<hbm>> -> memref<64xi32, #tpu.memory_space<hbm>>
      %dma_start3A_34 = tpu.memref_slice %arg3[%add3A_26] : memref<8192xi32, #tpu.memory_space<hbm>> -> memref<64xi32, #tpu.memory_space<hbm>>
      tpu.enqueue_dma source(%dma_start3A_34 : memref<64xi32, #tpu.memory_space<hbm>>) target(%arg5 : memref<64xi32, #tpu.memory_space<vmem>>) target_semaphore(%run_scoped3A : memref<!tpu.dma_semaphore, #tpu.memory_space<semaphore_mem>>)
      %dma_wait3A_35 = tpu.memref_slice %arg3[%add3A_26] : memref<8192xi32, #tpu.memory_space<hbm>> -> memref<64xi32, #tpu.memory_space<hbm>>
      %dma_wait3A_36 = tpu.memref_slice %arg3[%add3A_26] : memref<8192xi32, #tpu.memory_space<hbm>> -> memref<64xi32, #tpu.memory_space<hbm>>
      tpu.wait_dma2 semaphore(%run_scoped3A : memref<!tpu.dma_semaphore, #tpu.memory_space<semaphore_mem>>) src(%dma_wait3A_36 : memref<64xi32, #tpu.memory_space<hbm>>) dst(%arg5 : memref<64xi32, #tpu.memory_space<vmem>>)
      tpu.yield
    }) : () -> ()
    %dma_start3A_27 = arith.constant 0 : i32
    %dma_start3A_28 = arith.constant 0 : i32
    %dma_start3A_29 = tpu.memref_slice %arg2[%dma_start3A_27, %dma_start3A_28] : memref<8192x256xf32, #tpu.memory_space<hbm>> -> memref<8192x256xf32, #tpu.memory_space<hbm>>
    tpu.enqueue_indirect_dma source(%dma_start3A_29 : memref<8192x256xf32, #tpu.memory_space<hbm>>) target(%arg6 : memref<64x256xf32, #tpu.memory_space<vmem>>) offsets(%arg5 : memref<64xi32, #tpu.memory_space<vmem>>) semaphore(%arg7 : memref<!tpu.dma_semaphore, #tpu.memory_space<semaphore_mem>>)
    %dma_wait3A_30 = arith.constant 0 : i32
    %dma_wait3A_31 = arith.constant 0 : i32
    %dma_wait3A_32 = tpu.memref_slice %arg2[%dma_wait3A_30, %dma_wait3A_31] : memref<8192x256xf32, #tpu.memory_space<hbm>> -> memref<8192x256xf32, #tpu.memory_space<hbm>>
    tpu.wait_indirect_dma semaphore(%arg7 : memref<!tpu.dma_semaphore, #tpu.memory_space<semaphore_mem>>) src(%dma_wait3A_32 : memref<8192x256xf32, #tpu.memory_space<hbm>>) dst(%arg6 : memref<64x256xf32, #tpu.memory_space<vmem>>)
    "tpu.region"() ({
      %run_scoped3A = tpu.sem_alloc : memref<!tpu.dma_semaphore, #tpu.memory_space<semaphore_mem>>
      %dma_start3A_33 = arith.constant 0 : i32
      %dma_start3A_34 = tpu.memref_slice %arg4[%add3A_26, %dma_start3A_33] : memref<8192x256xf32, #tpu.memory_space<hbm>> -> memref<64x256xf32, #tpu.memory_space<hbm>>
      %dma_start3A_35 = arith.constant 0 : i32
      %dma_start3A_36 = tpu.memref_slice %arg4[%add3A_26, %dma_start3A_35] : memref<8192x256xf32, #tpu.memory_space<hbm>> -> memref<64x256xf32, #tpu.memory_space<hbm>>
      tpu.enqueue_dma source(%arg6 : memref<64x256xf32, #tpu.memory_space<vmem>>) target(%dma_start3A_36 : memref<64x256xf32, #tpu.memory_space<hbm>>) target_semaphore(%run_scoped3A : memref<!tpu.dma_semaphore, #tpu.memory_space<semaphore_mem>>)
      %dma_wait3A_37 = arith.constant 0 : i32
      %dma_wait3A_38 = tpu.memref_slice %arg4[%add3A_26, %dma_wait3A_37] : memref<8192x256xf32, #tpu.memory_space<hbm>> -> memref<64x256xf32, #tpu.memory_space<hbm>>
      %dma_wait3A_39 = arith.constant 0 : i32
      %dma_wait3A_40 = tpu.memref_slice %arg4[%add3A_26, %dma_wait3A_39] : memref<8192x256xf32, #tpu.memory_space<hbm>> -> memref<64x256xf32, #tpu.memory_space<hbm>>
      tpu.wait_dma2 semaphore(%run_scoped3A : memref<!tpu.dma_semaphore, #tpu.memory_space<semaphore_mem>>) src(%arg6 : memref<64x256xf32, #tpu.memory_space<vmem>>) dst(%dma_wait3A_40 : memref<64x256xf32, #tpu.memory_space<hbm>>)
      tpu.yield
    }) : () -> ()
    return
  }
}

module attributes {stable_mosaic.version = 14 : i64} {
  func.func @_combine_kernel(%arg0: memref<8192x17xf32, #tpu.memory_space<vmem>>, %arg1: memref<8192x1xi32, #tpu.memory_space<vmem>>) attributes {dimension_semantics = [], scalar_prefetch = 0 : i64, scratch_operands = 0 : i64, tpu.core_type = #tpu.core_type<tc>} {
    %get3A = arith.constant 0 : index
    %get3A_0 = arith.constant 0 : index
    %get3A_1 = vector.load %arg0[%get3A, %get3A_0] : memref<8192x17xf32, #tpu.memory_space<vmem>>, vector<8192x4xf32>
    %get3A_2 = arith.constant 0 : index
    %get3A_3 = arith.constant 4 : index
    %get3A_4 = vector.load %arg0[%get3A_2, %get3A_3] : memref<8192x17xf32, #tpu.memory_space<vmem>>, vector<8192x4xf32>
    %get3A_5 = arith.constant 0 : index
    %get3A_6 = arith.constant 8 : index
    %get3A_7 = vector.load %arg0[%get3A_5, %get3A_6] : memref<8192x17xf32, #tpu.memory_space<vmem>>, vector<8192x4xf32>
    %get3A_8 = arith.constant 0 : index
    %get3A_9 = arith.constant 12 : index
    %get3A_10 = vector.load %arg0[%get3A_8, %get3A_9] : memref<8192x17xf32, #tpu.memory_space<vmem>>, vector<8192x4xf32>
    %reduce_min3A = arith.constant dense<0x7F800000> : vector<8192xf32>
    %reduce_min3A_11 = vector.multi_reduction <minimumf>, %get3A_1, %reduce_min3A [1] : vector<8192x4xf32> to vector<8192xf32>
    %broadcast_in_dim3A = vector.shape_cast %reduce_min3A_11 : vector<8192xf32> to vector<8192x1xf32>
    %reduce_min3A_12 = arith.constant dense<0x7F800000> : vector<8192xf32>
    %reduce_min3A_13 = vector.multi_reduction <minimumf>, %get3A_4, %reduce_min3A_12 [1] : vector<8192x4xf32> to vector<8192xf32>
    %broadcast_in_dim3A_14 = vector.shape_cast %reduce_min3A_13 : vector<8192xf32> to vector<8192x1xf32>
    %eq3A = vector.broadcast %broadcast_in_dim3A : vector<8192x1xf32> to vector<8192x4xf32>
    %eq3A_15 = arith.cmpf oeq, %get3A_1, %eq3A : vector<8192x4xf32>
    %jit3A = arith.constant 8.192000e+03 : f32
    %broadcast_in_dim3A_16 = vector.broadcast %jit3A : f32 to vector<8192x4xf32>
    %select_n3A = arith.select %eq3A_15, %get3A_7, %broadcast_in_dim3A_16 : vector<8192x4xi1>, vector<8192x4xf32>
    %reduce_min3A_17 = arith.constant dense<0x7F800000> : vector<8192xf32>
    %reduce_min3A_18 = vector.multi_reduction <minimumf>, %select_n3A, %reduce_min3A_17 [1] : vector<8192x4xf32> to vector<8192xf32>
    %broadcast_in_dim3A_19 = vector.shape_cast %reduce_min3A_18 : vector<8192xf32> to vector<8192x1xf32>
    %eq3A_20 = vector.broadcast %broadcast_in_dim3A_14 : vector<8192x1xf32> to vector<8192x4xf32>
    %eq3A_21 = arith.cmpf oeq, %get3A_4, %eq3A_20 : vector<8192x4xf32>
    %jit3A_22 = arith.constant 8.192000e+03 : f32
    %broadcast_in_dim3A_23 = vector.broadcast %jit3A_22 : f32 to vector<8192x4xf32>
    %select_n3A_24 = arith.select %eq3A_21, %get3A_10, %broadcast_in_dim3A_23 : vector<8192x4xi1>, vector<8192x4xf32>
    %reduce_min3A_25 = arith.constant dense<0x7F800000> : vector<8192xf32>
    %reduce_min3A_26 = vector.multi_reduction <minimumf>, %select_n3A_24, %reduce_min3A_25 [1] : vector<8192x4xf32> to vector<8192xf32>
    %broadcast_in_dim3A_27 = vector.shape_cast %reduce_min3A_26 : vector<8192xf32> to vector<8192x1xf32>
    %convert_element_type3A = arith.truncf %broadcast_in_dim3A : vector<8192x1xf32> to vector<8192x1xbf16>
    %convert_element_type3A_28 = arith.extf %convert_element_type3A : vector<8192x1xbf16> to vector<8192x1xf32>
    %lt3A = arith.cmpf olt, %broadcast_in_dim3A_14, %convert_element_type3A_28 : vector<8192x1xf32>
    %select_n3A_29 = arith.select %lt3A, %broadcast_in_dim3A_27, %broadcast_in_dim3A_19 : vector<8192x1xi1>, vector<8192x1xf32>
    %convert_element_type3A_30 = arith.fptosi %select_n3A_29 : vector<8192x1xf32> to vector<8192x1xi32>
    %swap3A = arith.constant 0 : index
    %swap3A_31 = arith.constant 0 : index
    %swap3A_32 = vector.load %arg1[%swap3A, %swap3A_31] : memref<8192x1xi32, #tpu.memory_space<vmem>>, vector<8192x1xi32>
    tpu.vector_store %arg1[%swap3A, %swap3A_31], %convert_element_type3A_30 {strides = array<i32>} : memref<8192x1xi32, #tpu.memory_space<vmem>>, vector<8192x1xi32>,
    return
  }
}

module attributes {stable_mosaic.version = 14 : i64} {
  func.func @_argmin_kernel(%arg0: i32, %arg1: memref<8192x256xf32, #tpu.memory_space<vmem>>, %arg2: memref<1024x256xf32, #tpu.memory_space<vmem>>, %arg3: memref<8192x17xf32, #tpu.memory_space<vmem>>, %arg4: memref<1x1024xf32, #tpu.memory_space<vmem>>) attributes {dimension_semantics = [#tpu.dimension_semantics<arbitrary>], iteration_bounds = array<i64: 8>, scalar_prefetch = 0 : i64, scratch_operands = 1 : i64, tpu.core_type = #tpu.core_type<tc>, window_params = [{pipeline_mode = #tpu.pipeline_mode<synchronous>, transform_indices = @transform_0, window_bounds = array<i64: 8192, 256>}, {transform_indices = @transform_1, window_bounds = array<i64: 1024, 256>}, {pipeline_mode = #tpu.pipeline_mode<synchronous>, transform_indices = @transform_2, window_bounds = array<i64: 8192, 17>}]} {
    %eq3A = arith.constant 0 : i32
    %eq3A_0 = arith.cmpi eq, %arg0, %eq3A : i32
    %convert_element_type3A = arith.extui %eq3A_0 : i1 to i32
    %cond3A = arith.constant 0 : i32
    %cond3A_1 = arith.cmpi ne, %convert_element_type3A, %cond3A : i32
    scf.if %cond3A_1 {
      %get3A_78 = arith.constant 0 : index
      %get3A_79 = arith.constant 0 : index
      %get3A_80 = vector.load %arg1[%get3A_78, %get3A_79] : memref<8192x256xf32, #tpu.memory_space<vmem>>, vector<8192x256xf32>
      %mul3A_81 = arith.mulf %get3A_80, %get3A_80 : vector<8192x256xf32>
      %reduce_sum3A_82 = arith.constant dense<0.000000e+00> : vector<8192xf32>
      %reduce_sum3A_83 = vector.multi_reduction <add>, %mul3A_81, %reduce_sum3A_82 [1] : vector<8192x256xf32> to vector<8192xf32>
      %broadcast_in_dim3A_84 = vector.shape_cast %reduce_sum3A_83 : vector<8192xf32> to vector<8192x1xf32>
      %swap3A = arith.constant 0 : index
      %swap3A_85 = arith.constant 16 : index
      %swap3A_86 = vector.load %arg3[%swap3A, %swap3A_85] : memref<8192x17xf32, #tpu.memory_space<vmem>>, vector<8192x1xf32>
      tpu.vector_store %arg3[%swap3A, %swap3A_85], %broadcast_in_dim3A_84 {strides = array<i32>} : memref<8192x17xf32, #tpu.memory_space<vmem>>, vector<8192x1xf32>,
      %iota3A = tpu.iota {dimensions = array<i32: 1>} : vector<1x1024xi32>
      %convert_element_type3A_87 = arith.sitofp %iota3A : vector<1x1024xi32> to vector<1x1024xf32>
      %swap3A_88 = arith.constant 0 : index
      %swap3A_89 = arith.constant 0 : index
      %swap3A_90 = vector.load %arg4[%swap3A_88, %swap3A_89] : memref<1x1024xf32, #tpu.memory_space<vmem>>, vector<1x1024xf32>
      tpu.vector_store %arg4[%swap3A_88, %swap3A_89], %convert_element_type3A_87 {strides = array<i32>} : memref<1x1024xf32, #tpu.memory_space<vmem>>, vector<1x1024xf32>,
    } else {
    }
    %get3A = arith.constant 0 : index
    %get3A_2 = arith.constant 0 : index
    %get3A_3 = vector.load %arg2[%get3A, %get3A_2] : memref<1024x256xf32, #tpu.memory_space<vmem>>, vector<1024x256xf32>
    %get3A_4 = arith.constant 0 : index
    %get3A_5 = arith.constant 0 : index
    %get3A_6 = vector.load %arg1[%get3A_4, %get3A_5] : memref<8192x256xf32, #tpu.memory_space<vmem>>, vector<8192x256xf32>
    %convert_element_type3A_7 = arith.truncf %get3A_6 : vector<8192x256xf32> to vector<8192x256xbf16>
    %mul3A = arith.constant -2.000000e+00 : f32
    %mul3A_8 = vector.broadcast %mul3A : f32 to vector<1024x256xf32>
    %mul3A_9 = arith.mulf %get3A_3, %mul3A_8 : vector<1024x256xf32>
    %convert_element_type3A_10 = arith.truncf %mul3A_9 : vector<1024x256xf32> to vector<1024x256xbf16>
    %dot_general3A = arith.constant dense<0.000000e+00> : vector<8192x1024xf32>
    %dot_general3A_11 = tpu.matmul %convert_element_type3A_7, %convert_element_type3A_10, %dot_general3A {dimension_numbers = #tpu.dot_dimension_numbers<[1], [1], [0], [0], [0, 0, 1, 0], [], []>, transpose_lhs_hint = false} : vector<8192x256xbf16>, vector<1024x256xbf16>, vector<8192x1024xf32> -> vector<8192x1024xf32>
    %mul3A_12 = arith.mulf %get3A_3, %get3A_3 : vector<1024x256xf32>
    %reduce_sum3A = arith.constant dense<0.000000e+00> : vector<1024xf32>
    %reduce_sum3A_13 = vector.multi_reduction <add>, %mul3A_12, %reduce_sum3A [1] : vector<1024x256xf32> to vector<1024xf32>
    %broadcast_in_dim3A = vector.shape_cast %reduce_sum3A_13 : vector<1024xf32> to vector<1x1024xf32>
    %get3A_14 = arith.constant 0 : index
    %get3A_15 = arith.constant 16 : index
    %get3A_16 = vector.load %arg3[%get3A_14, %get3A_15] : memref<8192x17xf32, #tpu.memory_space<vmem>>, vector<8192x1xf32>
    %add3A = vector.broadcast %get3A_16 : vector<8192x1xf32> to vector<8192x1024xf32>
    %add3A_17 = arith.addf %add3A, %dot_general3A_11 : vector<8192x1024xf32>
    %add3A_18 = vector.broadcast %broadcast_in_dim3A : vector<1x1024xf32> to vector<8192x1024xf32>
    %add3A_19 = arith.addf %add3A_17, %add3A_18 : vector<8192x1024xf32>
    %reduce_min3A = arith.constant dense<0x7F800000> : vector<8192xf32>
    %reduce_min3A_20 = vector.multi_reduction <minimumf>, %add3A_19, %reduce_min3A [1] : vector<8192x1024xf32> to vector<8192xf32>
    %broadcast_in_dim3A_21 = vector.shape_cast %reduce_min3A_20 : vector<8192xf32> to vector<8192x1xf32>
    %mul3A_22 = arith.constant 1024 : i32
    %mul3A_23 = arith.muli %arg0, %mul3A_22 : i32
    %convert_element_type3A_24 = arith.sitofp %mul3A_23 : i32 to f32
    %eq3A_25 = vector.broadcast %broadcast_in_dim3A_21 : vector<8192x1xf32> to vector<8192x1024xf32>
    %eq3A_26 = arith.cmpf oeq, %add3A_19, %eq3A_25 : vector<8192x1024xf32>
    %get3A_27 = arith.constant 0 : index
    %get3A_28 = arith.constant 0 : index
    %get3A_29 = vector.load %arg4[%get3A_27, %get3A_28] : memref<1x1024xf32, #tpu.memory_space<vmem>>, vector<1x1024xf32>
    %jit3A = arith.constant 8.192000e+03 : f32
    %broadcast_in_dim3A_30 = vector.shape_cast %get3A_29 : vector<1x1024xf32> to vector<1x1024xf32>
    %broadcast_in_dim3A_31 = vector.broadcast %broadcast_in_dim3A_30 : vector<1x1024xf32> to vector<8192x1024xf32>
    %broadcast_in_dim3A_32 = vector.broadcast %jit3A : f32 to vector<8192x1024xf32>
    %select_n3A = arith.select %eq3A_26, %broadcast_in_dim3A_31, %broadcast_in_dim3A_32 : vector<8192x1024xi1>, vector<8192x1024xf32>
    %reduce_min3A_33 = arith.constant dense<0x7F800000> : vector<8192xf32>
    %reduce_min3A_34 = vector.multi_reduction <minimumf>, %select_n3A, %reduce_min3A_33 [1] : vector<8192x1024xf32> to vector<8192xf32>
    %broadcast_in_dim3A_35 = vector.shape_cast %reduce_min3A_34 : vector<8192xf32> to vector<8192x1xf32>
    %add3A_36 = vector.broadcast %convert_element_type3A_24 : f32 to vector<8192x1xf32>
    %add3A_37 = arith.addf %broadcast_in_dim3A_35, %add3A_36 : vector<8192x1xf32>
    %eq3A_38 = arith.constant 0 : i32
    %eq3A_39 = arith.cmpi eq, %arg0, %eq3A_38 : i32
    %convert_element_type3A_40 = arith.extui %eq3A_39 : i1 to i32
    %cond3A_41 = arith.constant 0 : i32
    %cond3A_42 = arith.cmpi ne, %convert_element_type3A_40, %cond3A_41 : i32
    scf.if %cond3A_42 {
      %swap3A = arith.constant 0 : index
      %swap3A_78 = arith.constant 0 : index
      %swap3A_79 = vector.load %arg3[%swap3A, %swap3A_78] : memref<8192x17xf32, #tpu.memory_space<vmem>>, vector<8192x1xf32>
      tpu.vector_store %arg3[%swap3A, %swap3A_78], %broadcast_in_dim3A_21 {strides = array<i32>} : memref<8192x17xf32, #tpu.memory_space<vmem>>, vector<8192x1xf32>,
      %swap3A_80 = arith.constant 0 : index
      %swap3A_81 = arith.constant 8 : index
      %swap3A_82 = vector.load %arg3[%swap3A_80, %swap3A_81] : memref<8192x17xf32, #tpu.memory_space<vmem>>, vector<8192x1xf32>
      tpu.vector_store %arg3[%swap3A_80, %swap3A_81], %add3A_37 {strides = array<i32>} : memref<8192x17xf32, #tpu.memory_space<vmem>>, vector<8192x1xf32>,
    } else {
    }
    %eq3A_43 = arith.constant 1 : i32
    %eq3A_44 = arith.cmpi eq, %arg0, %eq3A_43 : i32
    %convert_element_type3A_45 = arith.extui %eq3A_44 : i1 to i32
    %cond3A_46 = arith.constant 0 : i32
    %cond3A_47 = arith.cmpi ne, %convert_element_type3A_45, %cond3A_46 : i32
    scf.if %cond3A_47 {
      %swap3A = arith.constant 0 : index
      %swap3A_78 = arith.constant 1 : index
      %swap3A_79 = vector.load %arg3[%swap3A, %swap3A_78] : memref<8192x17xf32, #tpu.memory_space<vmem>>, vector<8192x1xf32>
      tpu.vector_store %arg3[%swap3A, %swap3A_78], %broadcast_in_dim3A_21 {strides = array<i32>} : memref<8192x17xf32, #tpu.memory_space<vmem>>, vector<8192x1xf32>,
      %swap3A_80 = arith.constant 0 : index
      %swap3A_81 = arith.constant 9 : index
      %swap3A_82 = vector.load %arg3[%swap3A_80, %swap3A_81] : memref<8192x17xf32, #tpu.memory_space<vmem>>, vector<8192x1xf32>
      tpu.vector_store %arg3[%swap3A_80, %swap3A_81], %add3A_37 {strides = array<i32>} : memref<8192x17xf32, #tpu.memory_space<vmem>>, vector<8192x1xf32>,
    } else {
    }
    %eq3A_48 = arith.constant 2 : i32
    %eq3A_49 = arith.cmpi eq, %arg0, %eq3A_48 : i32
    %convert_element_type3A_50 = arith.extui %eq3A_49 : i1 to i32
    %cond3A_51 = arith.constant 0 : i32
    %cond3A_52 = arith.cmpi ne, %convert_element_type3A_50, %cond3A_51 : i32
    scf.if %cond3A_52 {
      %swap3A = arith.constant 0 : index
      %swap3A_78 = arith.constant 2 : index
      %swap3A_79 = vector.load %arg3[%swap3A, %swap3A_78] : memref<8192x17xf32, #tpu.memory_space<vmem>>, vector<8192x1xf32>
      tpu.vector_store %arg3[%swap3A, %swap3A_78], %broadcast_in_dim3A_21 {strides = array<i32>} : memref<8192x17xf32, #tpu.memory_space<vmem>>, vector<8192x1xf32>,
      %swap3A_80 = arith.constant 0 : index
      %swap3A_81 = arith.constant 10 : index
      %swap3A_82 = vector.load %arg3[%swap3A_80, %swap3A_81] : memref<8192x17xf32, #tpu.memory_space<vmem>>, vector<8192x1xf32>
      tpu.vector_store %arg3[%swap3A_80, %swap3A_81], %add3A_37 {strides = array<i32>} : memref<8192x17xf32, #tpu.memory_space<vmem>>, vector<8192x1xf32>,
    } else {
    }
    %eq3A_53 = arith.constant 3 : i32
    %eq3A_54 = arith.cmpi eq, %arg0, %eq3A_53 : i32
    %convert_element_type3A_55 = arith.extui %eq3A_54 : i1 to i32
    %cond3A_56 = arith.constant 0 : i32
    %cond3A_57 = arith.cmpi ne, %convert_element_type3A_55, %cond3A_56 : i32
    scf.if %cond3A_57 {
      %swap3A = arith.constant 0 : index
      %swap3A_78 = arith.constant 3 : index
      %swap3A_79 = vector.load %arg3[%swap3A, %swap3A_78] : memref<8192x17xf32, #tpu.memory_space<vmem>>, vector<8192x1xf32>
      tpu.vector_store %arg3[%swap3A, %swap3A_78], %broadcast_in_dim3A_21 {strides = array<i32>} : memref<8192x17xf32, #tpu.memory_space<vmem>>, vector<8192x1xf32>,
      %swap3A_80 = arith.constant 0 : index
      %swap3A_81 = arith.constant 11 : index
      %swap3A_82 = vector.load %arg3[%swap3A_80, %swap3A_81] : memref<8192x17xf32, #tpu.memory_space<vmem>>, vector<8192x1xf32>
      tpu.vector_store %arg3[%swap3A_80, %swap3A_81], %add3A_37 {strides = array<i32>} : memref<8192x17xf32, #tpu.memory_space<vmem>>, vector<8192x1xf32>,
    } else {
    }
    %eq3A_58 = arith.constant 4 : i32
    %eq3A_59 = arith.cmpi eq, %arg0, %eq3A_58 : i32
    %convert_element_type3A_60 = arith.extui %eq3A_59 : i1 to i32
    %cond3A_61 = arith.constant 0 : i32
    %cond3A_62 = arith.cmpi ne, %convert_element_type3A_60, %cond3A_61 : i32
    scf.if %cond3A_62 {
      %swap3A = arith.constant 0 : index
      %swap3A_78 = arith.constant 4 : index
      %swap3A_79 = vector.load %arg3[%swap3A, %swap3A_78] : memref<8192x17xf32, #tpu.memory_space<vmem>>, vector<8192x1xf32>
      tpu.vector_store %arg3[%swap3A, %swap3A_78], %broadcast_in_dim3A_21 {strides = array<i32>} : memref<8192x17xf32, #tpu.memory_space<vmem>>, vector<8192x1xf32>,
      %swap3A_80 = arith.constant 0 : index
      %swap3A_81 = arith.constant 12 : index
      %swap3A_82 = vector.load %arg3[%swap3A_80, %swap3A_81] : memref<8192x17xf32, #tpu.memory_space<vmem>>, vector<8192x1xf32>
      tpu.vector_store %arg3[%swap3A_80, %swap3A_81], %add3A_37 {strides = array<i32>} : memref<8192x17xf32, #tpu.memory_space<vmem>>, vector<8192x1xf32>,
    } else {
    }
    %eq3A_63 = arith.constant 5 : i32
    %eq3A_64 = arith.cmpi eq, %arg0, %eq3A_63 : i32
    %convert_element_type3A_65 = arith.extui %eq3A_64 : i1 to i32
    %cond3A_66 = arith.constant 0 : i32
    %cond3A_67 = arith.cmpi ne, %convert_element_type3A_65, %cond3A_66 : i32
    scf.if %cond3A_67 {
      %swap3A = arith.constant 0 : index
      %swap3A_78 = arith.constant 5 : index
      %swap3A_79 = vector.load %arg3[%swap3A, %swap3A_78] : memref<8192x17xf32, #tpu.memory_space<vmem>>, vector<8192x1xf32>
      tpu.vector_store %arg3[%swap3A, %swap3A_78], %broadcast_in_dim3A_21 {strides = array<i32>} : memref<8192x17xf32, #tpu.memory_space<vmem>>, vector<8192x1xf32>,
      %swap3A_80 = arith.constant 0 : index
      %swap3A_81 = arith.constant 13 : index
      %swap3A_82 = vector.load %arg3[%swap3A_80, %swap3A_81] : memref<8192x17xf32, #tpu.memory_space<vmem>>, vector<8192x1xf32>
      tpu.vector_store %arg3[%swap3A_80, %swap3A_81], %add3A_37 {strides = array<i32>} : memref<8192x17xf32, #tpu.memory_space<vmem>>, vector<8192x1xf32>,
    } else {
    }
    %eq3A_68 = arith.constant 6 : i32
    %eq3A_69 = arith.cmpi eq, %arg0, %eq3A_68 : i32
    %convert_element_type3A_70 = arith.extui %eq3A_69 : i1 to i32
    %cond3A_71 = arith.constant 0 : i32
    %cond3A_72 = arith.cmpi ne, %convert_element_type3A_70, %cond3A_71 : i32
    scf.if %cond3A_72 {
      %swap3A = arith.constant 0 : index
      %swap3A_78 = arith.constant 6 : index
      %swap3A_79 = vector.load %arg3[%swap3A, %swap3A_78] : memref<8192x17xf32, #tpu.memory_space<vmem>>, vector<8192x1xf32>
      tpu.vector_store %arg3[%swap3A, %swap3A_78], %broadcast_in_dim3A_21 {strides = array<i32>} : memref<8192x17xf32, #tpu.memory_space<vmem>>, vector<8192x1xf32>,
      %swap3A_80 = arith.constant 0 : index
      %swap3A_81 = arith.constant 14 : index
      %swap3A_82 = vector.load %arg3[%swap3A_80, %swap3A_81] : memref<8192x17xf32, #tpu.memory_space<vmem>>, vector<8192x1xf32>
      tpu.vector_store %arg3[%swap3A_80, %swap3A_81], %add3A_37 {strides = array<i32>} : memref<8192x17xf32, #tpu.memory_space<vmem>>, vector<8192x1xf32>,
    } else {
    }
    %eq3A_73 = arith.constant 7 : i32
    %eq3A_74 = arith.cmpi eq, %arg0, %eq3A_73 : i32
    %convert_element_type3A_75 = arith.extui %eq3A_74 : i1 to i32
    %cond3A_76 = arith.constant 0 : i32
    %cond3A_77 = arith.cmpi ne, %convert_element_type3A_75, %cond3A_76 : i32
    scf.if %cond3A_77 {
      %swap3A = arith.constant 0 : index
      %swap3A_78 = arith.constant 7 : index
      %swap3A_79 = vector.load %arg3[%swap3A, %swap3A_78] : memref<8192x17xf32, #tpu.memory_space<vmem>>, vector<8192x1xf32>
      tpu.vector_store %arg3[%swap3A, %swap3A_78], %broadcast_in_dim3A_21 {strides = array<i32>} : memref<8192x17xf32, #tpu.memory_space<vmem>>, vector<8192x1xf32>,
      %swap3A_80 = arith.constant 0 : index
      %swap3A_81 = arith.constant 15 : index
      %swap3A_82 = vector.load %arg3[%swap3A_80, %swap3A_81] : memref<8192x17xf32, #tpu.memory_space<vmem>>, vector<8192x1xf32>
      tpu.vector_store %arg3[%swap3A_80, %swap3A_81], %add3A_37 {strides = array<i32>} : memref<8192x17xf32, #tpu.memory_space<vmem>>, vector<8192x1xf32>,
    } else {
    }
    return
  }
  func.func @transform_0(%arg0: i32) -> (i32, i32) {
    %c0_i32 = arith.constant 0 : i32
    %c0_i32_0 = arith.constant 0 : i32
    %c0_i32_1 = arith.constant 0 : i32
    return %c0_i32, %c0_i32_0 : i32, i32
  }
  func.func @transform_1(%arg0: i32) -> (i32, i32) {
    %c0_i32 = arith.constant 0 : i32
    %c0_i32_0 = arith.constant 0 : i32
    return %arg0, %c0_i32 : i32, i32
  }
  func.func @transform_2(%arg0: i32) -> (i32, i32) {
    %c0_i32 = arith.constant 0 : i32
    %c0_i32_0 = arith.constant 0 : i32
    %c0_i32_1 = arith.constant 0 : i32
    return %c0_i32, %c0_i32_0 : i32, i32
  }
}

module attributes {stable_mosaic.version = 14 : i64} {
  func.func @_onehot_kernel(%arg0: i32, %arg1: memref<256x1xi32, #tpu.memory_space<vmem>>, %arg2: memref<256x8192xf32, #tpu.memory_space<vmem>>, %arg3: memref<1x8192xf32, #tpu.memory_space<vmem>>, %arg4: memref<1x8192xf32, #tpu.memory_space<vmem>>, %arg5: memref<1x8192xi32, #tpu.memory_space<vmem>>) attributes {dimension_semantics = [#tpu.dimension_semantics<arbitrary>], iteration_bounds = array<i64: 32>, scalar_prefetch = 0 : i64, scratch_operands = 2 : i64, tpu.core_type = #tpu.core_type<tc>, window_params = [{transform_indices = @transform_0, window_bounds = array<i64: 256, 1>}, {transform_indices = @transform_1, window_bounds = array<i64: 256, 8192>}, {pipeline_mode = #tpu.pipeline_mode<synchronous>, transform_indices = @transform_2, window_bounds = array<i64: 1, 8192>}]} {
    %eq3A = arith.constant 0 : i32
    %eq3A_0 = arith.cmpi eq, %arg0, %eq3A : i32
    %convert_element_type3A = arith.extui %eq3A_0 : i1 to i32
    %cond3A = arith.constant 0 : i32
    %cond3A_1 = arith.cmpi ne, %convert_element_type3A, %cond3A : i32
    scf.if %cond3A_1 {
      %iota3A = tpu.iota {dimensions = array<i32: 1>} : vector<1x8192xi32>
      %swap3A_31 = arith.constant 0 : index
      %swap3A_32 = arith.constant 0 : index
      %swap3A_33 = vector.load %arg5[%swap3A_31, %swap3A_32] : memref<1x8192xi32, #tpu.memory_space<vmem>>, vector<1x8192xi32>
      tpu.vector_store %arg5[%swap3A_31, %swap3A_32], %iota3A {strides = array<i32>} : memref<1x8192xi32, #tpu.memory_space<vmem>>, vector<1x8192xi32>,
    } else {
    }
    %get3A = arith.constant 0 : index
    %get3A_2 = arith.constant 0 : index
    %get3A_3 = vector.load %arg5[%get3A, %get3A_2] : memref<1x8192xi32, #tpu.memory_space<vmem>>, vector<1x8192xi32>
    %get3A_4 = arith.constant 0 : index
    %get3A_5 = arith.constant 0 : index
    %get3A_6 = vector.load %arg1[%get3A_4, %get3A_5] : memref<256x1xi32, #tpu.memory_space<vmem>>, vector<256x1xi32>
    %eq3A_7 = vector.broadcast %get3A_3 : vector<1x8192xi32> to vector<256x8192xi32>
    %eq3A_8 = vector.broadcast %get3A_6 : vector<256x1xi32> to vector<256x8192xi32>
    %eq3A_9 = arith.cmpi eq, %eq3A_7, %eq3A_8 : vector<256x8192xi32>
    %convert_element_type3A_10 = arith.extui %eq3A_9 : vector<256x8192xi1> to vector<256x8192xi32>
    %convert_element_type3A_11 = arith.sitofp %convert_element_type3A_10 : vector<256x8192xi32> to vector<256x8192xf32>
    %swap3A = arith.constant 0 : index
    %swap3A_12 = arith.constant 0 : index
    %swap3A_13 = vector.load %arg2[%swap3A, %swap3A_12] : memref<256x8192xf32, #tpu.memory_space<vmem>>, vector<256x8192xf32>
    tpu.vector_store %arg2[%swap3A, %swap3A_12], %convert_element_type3A_11 {strides = array<i32>} : memref<256x8192xf32, #tpu.memory_space<vmem>>, vector<256x8192xf32>,
    %eq3A_14 = arith.constant 0 : i32
    %eq3A_15 = arith.cmpi eq, %arg0, %eq3A_14 : i32
    %convert_element_type3A_16 = arith.extui %eq3A_15 : i1 to i32
    %cond3A_17 = arith.constant 0 : i32
    %cond3A_18 = arith.cmpi ne, %convert_element_type3A_16, %cond3A_17 : i32
    scf.if %cond3A_18 {
      %broadcast_in_dim3A_31 = arith.constant 0.000000e+00 : f32
      %broadcast_in_dim3A_32 = vector.broadcast %broadcast_in_dim3A_31 : f32 to vector<1x8192xf32>
      %swap3A_33 = arith.constant 0 : index
      %swap3A_34 = arith.constant 0 : index
      %swap3A_35 = vector.load %arg4[%swap3A_33, %swap3A_34] : memref<1x8192xf32, #tpu.memory_space<vmem>>, vector<1x8192xf32>
      tpu.vector_store %arg4[%swap3A_33, %swap3A_34], %broadcast_in_dim3A_32 {strides = array<i32>} : memref<1x8192xf32, #tpu.memory_space<vmem>>, vector<1x8192xf32>,
    } else {
    }
    %get3A_19 = arith.constant 0 : index
    %get3A_20 = arith.constant 0 : index
    %get3A_21 = vector.load %arg4[%get3A_19, %get3A_20] : memref<1x8192xf32, #tpu.memory_space<vmem>>, vector<1x8192xf32>
    %reduce_sum3A = arith.constant dense<0.000000e+00> : vector<8192xf32>
    %reduce_sum3A_22 = vector.multi_reduction <add>, %convert_element_type3A_11, %reduce_sum3A [0] : vector<256x8192xf32> to vector<8192xf32>
    %broadcast_in_dim3A = vector.shape_cast %reduce_sum3A_22 : vector<8192xf32> to vector<1x8192xf32>
    %add3A = arith.addf %get3A_21, %broadcast_in_dim3A : vector<1x8192xf32>
    %swap3A_23 = arith.constant 0 : index
    %swap3A_24 = arith.constant 0 : index
    %swap3A_25 = vector.load %arg4[%swap3A_23, %swap3A_24] : memref<1x8192xf32, #tpu.memory_space<vmem>>, vector<1x8192xf32>
    tpu.vector_store %arg4[%swap3A_23, %swap3A_24], %add3A {strides = array<i32>} : memref<1x8192xf32, #tpu.memory_space<vmem>>, vector<1x8192xf32>,
    %eq3A_26 = arith.constant 31 : i32
    %eq3A_27 = arith.cmpi eq, %arg0, %eq3A_26 : i32
    %convert_element_type3A_28 = arith.extui %eq3A_27 : i1 to i32
    %cond3A_29 = arith.constant 0 : i32
    %cond3A_30 = arith.cmpi ne, %convert_element_type3A_28, %cond3A_29 : i32
    scf.if %cond3A_30 {
      %get3A_31 = arith.constant 0 : index
      %get3A_32 = arith.constant 0 : index
      %get3A_33 = vector.load %arg4[%get3A_31, %get3A_32] : memref<1x8192xf32, #tpu.memory_space<vmem>>, vector<1x8192xf32>
      %swap3A_34 = arith.constant 0 : index
      %swap3A_35 = arith.constant 0 : index
      %swap3A_36 = vector.load %arg3[%swap3A_34, %swap3A_35] : memref<1x8192xf32, #tpu.memory_space<vmem>>, vector<1x8192xf32>
      tpu.vector_store %arg3[%swap3A_34, %swap3A_35], %get3A_33 {strides = array<i32>} : memref<1x8192xf32, #tpu.memory_space<vmem>>, vector<1x8192xf32>,
    } else {
    }
    return
  }
  func.func @transform_0(%arg0: i32) -> (i32, i32) {
    %c0_i32 = arith.constant 0 : i32
    %c0_i32_0 = arith.constant 0 : i32
    return %arg0, %c0_i32 : i32, i32
  }
  func.func @transform_1(%arg0: i32) -> (i32, i32) {
    %c0_i32 = arith.constant 0 : i32
    %c0_i32_0 = arith.constant 0 : i32
    return %arg0, %c0_i32 : i32, i32
  }
  func.func @transform_2(%arg0: i32) -> (i32, i32) {
    %c0_i32 = arith.constant 0 : i32
    %c0_i32_0 = arith.constant 0 : i32
    %c0_i32_1 = arith.constant 0 : i32
    return %c0_i32, %c0_i32_0 : i32, i32
  }
}

module attributes {stable_mosaic.version = 14 : i64} {
  func.func @_finish_kernel(%arg0: memref<8192x256xf32, #tpu.memory_space<vmem>>, %arg1: memref<8192x256xf32, #tpu.memory_space<vmem>>, %arg2: memref<1x8192xf32, #tpu.memory_space<vmem>>, %arg3: memref<1x1xf32, #tpu.memory_space<vmem>>, %arg4: memref<1x1xf32, #tpu.memory_space<vmem>>, %arg5: memref<8192x256xf32, #tpu.memory_space<vmem>>) attributes {dimension_semantics = [], scalar_prefetch = 0 : i64, scratch_operands = 0 : i64, tpu.core_type = #tpu.core_type<tc>} {
    %get3A = arith.constant 0 : index
    %get3A_0 = arith.constant 0 : index
    %get3A_1 = vector.load %arg0[%get3A, %get3A_0] : memref<8192x256xf32, #tpu.memory_space<vmem>>, vector<8192x256xf32>
    %get3A_2 = arith.constant 0 : index
    %get3A_3 = arith.constant 0 : index
    %get3A_4 = vector.load %arg1[%get3A_2, %get3A_3] : memref<8192x256xf32, #tpu.memory_space<vmem>>, vector<8192x256xf32>
    %sub3A = arith.subf %get3A_4, %get3A_1 : vector<8192x256xf32>
    %mul3A = arith.mulf %sub3A, %sub3A : vector<8192x256xf32>
    %reduce_sum3A = vector.shape_cast %mul3A : vector<8192x256xf32> to vector<1x8192x256xf32>
    %reduce_sum3A_5 = arith.constant dense<0.000000e+00> : vector<1xf32>
    %reduce_sum3A_6 = vector.multi_reduction <add>, %reduce_sum3A, %reduce_sum3A_5 [1, 2] : vector<1x8192x256xf32> to vector<1xf32>
    %reduce_sum3A_7 = vector.shape_cast %reduce_sum3A_6 : vector<1xf32> to vector<1x1x1xf32>
    %reduce_sum3A_8 = vector.extract %reduce_sum3A_7[0, 0, 0] : f32 from vector<1x1x1xf32>
    %div3A = arith.constant 0x4A000000 : f32
    %div3A_9 = arith.divf %reduce_sum3A_8, %div3A : f32
    %mul3A_10 = arith.constant 2.500000e-01 : f32
    %mul3A_11 = arith.mulf %mul3A_10, %div3A_9 : f32
    %add3A = arith.addf %div3A_9, %mul3A_11 : f32
    %reshape3A = vector.broadcast %add3A : f32 to vector<1x1xf32>
    %swap3A = arith.constant 0 : index
    %swap3A_12 = arith.constant 0 : index
    %swap3A_13 = vector.load %arg3[%swap3A, %swap3A_12] : memref<1x1xf32, #tpu.memory_space<vmem>>, vector<1x1xf32>
    tpu.vector_store %arg3[%swap3A, %swap3A_12], %reshape3A {strides = array<i32>} : memref<1x1xf32, #tpu.memory_space<vmem>>, vector<1x1xf32>,
    %sub3A_14 = arith.subf %get3A_4, %get3A_1 : vector<8192x256xf32>
    %add3A_15 = arith.addf %get3A_1, %sub3A_14 : vector<8192x256xf32>
    %swap3A_16 = arith.constant 0 : index
    %swap3A_17 = arith.constant 0 : index
    %swap3A_18 = vector.load %arg5[%swap3A_16, %swap3A_17] : memref<8192x256xf32, #tpu.memory_space<vmem>>, vector<8192x256xf32>
    tpu.vector_store %arg5[%swap3A_16, %swap3A_17], %add3A_15 {strides = array<i32>} : memref<8192x256xf32, #tpu.memory_space<vmem>>, vector<8192x256xf32>,
    %get3A_19 = arith.constant 0 : index
    %get3A_20 = arith.constant 0 : index
    %get3A_21 = vector.load %arg2[%get3A_19, %get3A_20] : memref<1x8192xf32, #tpu.memory_space<vmem>>, vector<1x8192xf32>
    %mul3A_22 = arith.constant 1.22070313E-4 : f32
    %mul3A_23 = vector.broadcast %mul3A_22 : f32 to vector<1x8192xf32>
    %mul3A_24 = arith.mulf %get3A_21, %mul3A_23 : vector<1x8192xf32>
    %add3A_25 = arith.constant 1.000000e-10 : f32
    %add3A_26 = vector.broadcast %add3A_25 : f32 to vector<1x8192xf32>
    %add3A_27 = arith.addf %mul3A_24, %add3A_26 : vector<1x8192xf32>
    %log3A = math.log %add3A_27 : vector<1x8192xf32>
    %mul3A_28 = arith.mulf %mul3A_24, %log3A : vector<1x8192xf32>
    %reduce_sum3A_29 = vector.shape_cast %mul3A_28 : vector<1x8192xf32> to vector<1x1x8192xf32>
    %reduce_sum3A_30 = arith.constant dense<0.000000e+00> : vector<1xf32>
    %reduce_sum3A_31 = vector.multi_reduction <add>, %reduce_sum3A_29, %reduce_sum3A_30 [1, 2] : vector<1x1x8192xf32> to vector<1xf32>
    %reduce_sum3A_32 = vector.shape_cast %reduce_sum3A_31 : vector<1xf32> to vector<1x1x1xf32>
    %reduce_sum3A_33 = vector.extract %reduce_sum3A_32[0, 0, 0] : f32 from vector<1x1x1xf32>
    %neg3A = arith.constant 0.000000e+00 : f32
    %neg3A_34 = arith.subf %neg3A, %reduce_sum3A_33 : f32
    %exp3A = math.exp %neg3A_34 : f32
    %reshape3A_35 = vector.broadcast %exp3A : f32 to vector<1x1xf32>
    %swap3A_36 = arith.constant 0 : index
    %swap3A_37 = arith.constant 0 : index
    %swap3A_38 = vector.load %arg4[%swap3A_36, %swap3A_37] : memref<1x1xf32, #tpu.memory_space<vmem>>, vector<1x1xf32>
    tpu.vector_store %arg4[%swap3A_36, %swap3A_37], %reshape3A_35 {strides = array<i32>} : memref<1x1xf32, #tpu.memory_space<vmem>>, vector<1x1xf32>,
    return
  }
}

</mosaic_0001>

<sc_bundles>
// kernel: kernel.7.cloned.1.call-start
scs
__scs_entry_jumppad:
0x0: {  	(pc) =	sbr.rel $0x88, $3  }
0x1: {  	(tag) =	ssettag $0x0;
	lr =	simm.s32 $0x1  }
0x2: {  	[smem:$0x3F9F] =	sst lr;
	_ =	strace $0xD0000000  }
0x3: {  	_ = 	snop  }
0x4: {  	_ = 	snop  }
0x5: {  	_ = 	snop  }
0x6: {  	_ = 	snop  }
0x7: {  	_ = 	snop  }
__scs_overlays_trampoline_lowered:
0x8: {  	[smem:$0x3FAE] =	sst s0  }
0x9: {  	[smem:$0x3FAF] =	sst s1  }
0xa: {  	[smem:$0x3FB0] =	sst s2  }
0xb: {  	[smem:$0x3FB1] =	sst s3  }
0xc: {  	[smem:$0x3FB2] =	sst s4  }
0xd: {  	[smem:$0x3FB3] =	sst s5  }
0xe: {  	[smem:$0x3FB4] =	sst s6  }
0xf: {  	[smem:$0x3FB5] =	sst s7  }
0x10: {  	[smem:$0x3FB6] =	sst s8  }
0x11: {  	[smem:$0x3FB7] =	sst s9;
	s0 =	simm.s32 @!p0 $0x0  }
0x12: {  	s1 =	sld [smem:$0x3F9D];
	s0 =	simm.s32 @p0 $0x1  }
0x13: {  	[smem:$0x3FB8] =	sst s0;
	s0 =	simm.s32 @!p1 $0x0  }
0x14: {  	s2 =	sld [smem:$0x3F9C];
	s0 =	simm.s32 @p1 $0x1  }
0x15: {  	[smem:$0x3FB9] =	sst s0;
	s0 =	simm.s32 @!p2 $0x0  }
0x16: {  	s3 =	sld [smem:$0x3FDB];
	s0 =	simm.s32 @p2 $0x1  }
0x17: {  	s4 =	simm.s32 $0x1BF5;
	[smem:$0x3FBB] =	sst s0  }
0x18: {  	s0 =	sld [smem:$0x3F9E];
	_ =	swait.ge [sflag:s4], $0x0  }
0x19: {  	s7 =	sld [smem:$0x3F9F]  }
0x1a: {  	s8 =	sadd.s32 $0xFFFFE003, lr  }
0x1b: {  	s9 =	sadd.s32 $0xFFFFFEF7, lr;
	s5 =	simm.s32 $0xFFFFFFFF;
	p2 =	slt.u32 s8, $0xFFFFF086  }
0x1c: {  	p1 =	slt.u32 s9, $0xF7A;
	s5 =	simm.s32 @!p2 $0x0  }
0x1d: {  	s5 =	simm.s32 @p1 $0x1;
	p0 =	seq.s32 s7, s2  }
0x1e: {  	s7 =	smul.u32 @!p0 $0xF7A, s2;
	p2 =	seq.s32 @!p0 s5, $0x0  }
0x1f: {  	s9 =	smul.u32 $0xF7A, s1;
	s8 =	simm.s32 @!p0 $0x1BF5;
	p2 =	por !p2, p0  }
0x20: {  	[sflag:s8] =	ssyncset.s32 @!p0 $0xFFFFF086;
	s6 =	sadd.s32 @!p0 s3, s7;
	s7 =	simm.s32 @!p0 $0x108  }
0x21: {  	s3 =	sadd.s32 s3, s9;
	s6 =	sadd.s32 @!p0 $0x88, s6;
	s7 =	simm.s32 @p2 $0x1082  }
0x22: {  	[simem:s7], [sflag:s8] =	dma.local @!p0 [hbm:s6], $0xF7A  }
0x23: {  	s9 =	sor.u32 $0xD0000000, s2;
	s6 =	simm.s32 $0x108;
	_ =	swait.ge @!p0 [sflag:s8], $0x0  }
0x24: {  	s3 =	sadd.s32 $0x88, s3;
	s6 =	simm.s32 @!p1 $0x1082;
	[sflag:s4] =	ssyncset.s32 $0xFFFFF086  }
0x25: {  	[simem:s6], [sflag:s4] =	dma.local [hbm:s3], $0xF7A  }
0x26: {  	[smem:$0x3F9F] =	sst s1;
	(tag) =	ssettag s2;
	_ =	strace s9  }
0x27: {  	s1 =	sld [smem:$0x3FAF]  }
0x28: {  	s2 =	sld [smem:$0x3FB0]  }
0x29: {  	s4 =	sld [smem:$0x3FB2]  }
0x2a: {  	p0 =	seq.s32 s5, $0x0;
	s5 =	sld [smem:$0x3FB3]  }
0x2b: {  	s6 =	sld [smem:$0x3FB4]  }
0x2c: {  	s7 =	sld [smem:$0x3FB5]  }
0x2d: {  	s3 =	simm.s32 $0x108;
	s8 =	sld [smem:$0x3FB6]  }
0x2e: {  	s3 =	simm.s32 @!p0 $0x1082;
	s9 =	sld [smem:$0x3FB7]  }
0x2f: {  	lr =	sadd.s32 s0, s3;
	s0 =	sld [smem:$0x3FAE]  }
0x30: {  	s3 =	sld [smem:$0x3FB1]  }
0x31: {  	[smem:$0x3FBA] =	sst s10  }
0x32: {  	s10 =	sld [smem:$0x3FB8];
	_ =	sdelay $0x3  }
0x33: {  	p0 =	seq.s32 s10, $0x1;
	s10 =	sld [smem:$0x3FBA];
	_ =	sdelay $0x3  }
0x34: {  	[smem:$0x3FBA] =	sst s10  }
0x35: {  	s10 =	sld [smem:$0x3FB9];
	_ =	sdelay $0x3  }
0x36: {  	p1 =	seq.s32 s10, $0x1;
	s10 =	sld [smem:$0x3FBA];
	_ =	sdelay $0x3  }
0x37: {  	[smem:$0x3FBA] =	sst s10  }
0x38: {  	s10 =	sld [smem:$0x3FBB]  }
0x39: {  	_ = 	snop;
	(pc) =	sbr.ind lr, $3  }
0x3a: {  	_ = 	snop  }
0x3b: {  	_ = 	snop  }
0x3c: {  	p2 =	seq.s32 s10, $0x1;
	s10 =	sld [smem:$0x3FBA]  }
0x3d: {  	_ =	shalt  }
0x3e: {  	_ =	shalt  }
0x3f: {  	_ =	shalt  }
0x40: {  	_ =	shalt  }
0x41: {  	_ =	shalt  }
0x42: {  	_ =	shalt  }
0x43: {  	_ =	shalt  }
0x44: {  	_ =	shalt  }
0x45: {  	_ =	shalt  }
0x46: {  	_ =	shalt  }
0x47: {  	_ =	shalt  }
0x48: {  	_ =	shalt  }
0x49: {  	_ =	shalt  }
0x4a: {  	_ =	shalt  }
0x4b: {  	_ =	shalt  }
0x4c: {  	_ =	shalt  }
0x4d: {  	_ =	shalt  }
0x4e: {  	_ =	shalt  }
0x4f: {  	_ =	shalt  }
0x50: {  	_ =	shalt  }
0x51: {  	_ =	shalt  }
0x52: {  	_ =	shalt  }
0x53: {  	_ =	shalt  }
0x54: {  	_ =	shalt  }
0x55: {  	_ =	shalt  }
0x56: {  	_ =	shalt  }
0x57: {  	_ =	shalt  }
0x58: {  	_ =	shalt  }
0x59: {  	_ =	shalt  }
0x5a: {  	_ =	shalt  }
0x5b: {  	_ =	shalt  }
0x5c: {  	_ =	shalt  }
0x5d: {  	_ =	shalt  }
0x5e: {  	_ =	shalt  }
0x5f: {  	_ =	shalt  }
0x60: {  	_ =	shalt  }
0x61: {  	_ =	shalt  }
0x62: {  	_ =	shalt  }
0x63: {  	_ =	shalt  }
0x64: {  	_ =	shalt  }
0x65: {  	_ =	shalt  }
0x66: {  	_ =	shalt  }
0x67: {  	_ =	shalt  }
0x68: {  	_ =	shalt  }
0x69: {  	_ =	shalt  }
0x6a: {  	_ =	shalt  }
0x6b: {  	_ =	shalt  }
0x6c: {  	_ =	shalt  }
0x6d: {  	_ =	shalt  }
0x6e: {  	_ =	shalt  }
0x6f: {  	_ =	shalt  }
0x70: {  	_ =	shalt  }
0x71: {  	_ =	shalt  }
0x72: {  	_ =	shalt  }
0x73: {  	_ =	shalt  }
0x74: {  	_ =	shalt  }
0x75: {  	_ =	shalt  }
0x76: {  	_ =	shalt  }
0x77: {  	_ =	shalt  }
0x78: {  	_ =	shalt  }
0x79: {  	_ =	shalt  }
0x7a: {  	_ =	shalt  }
0x7b: {  	_ =	shalt  }
0x7c: {  	_ =	shalt  }
0x7d: {  	_ =	shalt  }
0x7e: {  	_ =	shalt  }
0x7f: {  	_ =	shalt  }
0x80: {  	_ =	shalt  }
0x81: {  	_ =	shalt  }
0x82: {  	_ =	shalt  }
0x83: {  	_ =	shalt  }
0x84: {  	_ =	shalt  }
0x85: {  	_ =	shalt  }
0x86: {  	_ =	shalt  }
0x87: {  	_ =	shalt  }
.Lfunc_end0:
.L_simem_size_0:
called_computation_lowered:
.L_overlay_start_0:
0x88: {  	s2 =	sld [smem:$0x3FD9]  }
0x89: {  	s3 =	sld [smem:$0x3FFE];
	_ =	sdelay $0x1  }
0x8a: {  	s1 =	srdreg.scid  }
0x8b: {  	s0 =	sand.u32 $0x1, s1  }
0x8c: {  	s14 =	sshll.u32 s0, $0xA;
	s2 =	sadd.s32 s3, s2  }
0x8d: {  	s2 =	sadd.s32 s2, s14  }
0x8e: {  	[smem:$0x3FC6] =	sst s2  }
0x8f: {  	_ = 	snop  }
0x90: {  	s2 =	sld [smem:$0x3FD0];
	_ =	sdelay $0x2  }
0x91: {  	s4 =	simm.s32 $0xA;
	s5 =	simm.s32 $0x10;
	s15 =	sld [smem:$0x3FC8]  }
0x92: {  	[smem:s5], [sflag:s4] =	dma.local [hbm:s2], $0x1  }
0x93: {  	_ =	swait.eq [sflag:s4], $0x1  }
0x94: {  	[sflag:s4] =	ssyncset.done $0x0  }
0x95: {  	[sflag:s4] =	ssyncadd.s32 $0xFFFFFFFF  }
0x96: {  	s16 =	sld [smem:$0x11];
	(tm) =	ssettm $0x1  }
0x97: {  	s17 =	sld [smem:$0x3FFB];
	_ =	sdelay $0x3  }
0x98: {  	_ =	strace s17  }
0x99: {  	s4 =	sld [smem:$0x3FFC];
	_ =	sdelay $0x3  }
0x9a: {  	_ =	strace s4  }
0x9b: {  	s4 =	sld [smem:$0x3FFD];
	_ =	sdelay $0x3  }
0x9c: {  	_ =	strace s4  }
0x9d: {  	_ =	strace $0x8FFFFFFF  }
0x9e: {  	s18 =	sld [smem:$0x3FDB];
	_ =	sdelay $0x1  }
0x9f: {  	s19 =	simm.s32 $_scs_section_size  }
0xa0: {  	s6 =	simm.s32 $_size__tile_overlayer_lowered;
	s7 =	simm.s32 $_tile_overlayer_lowered  }
0xa1: {  	s22 =	simm.s32 $0x1BFF;
	s21 =	sshll.u32 s7, $0x1;
	s4 =	sadd.s32 s19, s18  }
0xa2: {  	s8 =	simm.s32 $0x0;
	s20 =	sshll.u32 s6, $0x1;
	s6 =	sadd.s32 s21, s4  }
0xa3: {  	[timem:s8], [sflag:s22] =	dma.local [hbm:s6], s20  }
0xa4: {  	_ =	swait.ge [sflag:s22], s20  }
0xa5: {  	s5 =	ssub.s32 $0x0, s20;
	[sflag:s22] =	ssyncset.done $0x0  }
0xa6: {  	[sflag:s22] =	ssyncadd.s32 s5;
	_ =	sdelay $0x1  }
0xa7: {  	s23 =	simm.s32 $0x1B8B  }
0xa8: {  	_ =	swait.ge [sflag:s23], $0x1  }
0xa9: {  	[sflag:s23] =	ssyncset.done $0x0  }
0xaa: {  	s25 =	simm.s32 $0x1B8E;
	s24 =	sld [smem:$0x3FFE];
	[sflag:s23] =	ssyncadd.s32 $0xFFFFFFFF  }
0xab: {  	s26 =	simm.s32 $execute0_lowered;
	[smem:$0x3FD2] =	sst s25  }
0xac: {  	s6 =	sshll.u32 s26, $0x1;
	_ =	strace $0x80000046;
	[dreg:$0x1] =	wrdreg $0xFFFFFFFF  }
0xad: {  	s28 =	simm.s32 $_size_execute0_lowered;
	s4 =	sadd.s32 s4, s6;
	[dreg:$0x0] =	wrdreg $0x0  }
0xae: {  	s6 =	sshll.u32 s28, $0x1;
	[dreg:$0x2] =	wrdreg s4  }
0xaf: {  	[dreg:$0x3] =	wrdreg s6  }
0xb0: {  	[dreg:$0x4] =	wrdreg $0xC0  }
0xb1: {  	_ =	task [dreg:s8], $0x5FFFF  }
0xb2: {  	[dreg:$0x1] =	wrdreg $0xFFFFFFFF  }
0xb3: {  	[dreg:$0x0] =	wrdreg $0x60  }
0xb4: {  	[dreg:$0x2] =	wrdreg s15  }
0xb5: {  	[dreg:$0x3] =	wrdreg s24  }
0xb6: {  	[dreg:$0x4] =	wrdreg s16  }
0xb7: {  	[dreg:$0x5] =	wrdreg $0x9  }
0xb8: {  	_ =	task.clear_ibuf [dreg:s8], $0x6FFFF;
	_ =	strace $0x90000046  }
0xb9: {  	s29 =	simm.s32 $0x9;
	_ =	strace $0x80000048  }
0xba: {  	_ =	swait.ge [sflag:s29], $0x1  }
0xbb: {  	[sflag:s29] =	ssyncadd.s32 $0xFFFFFFFF  }
0xbc: {  	_ =	strace $0x90000048  }
0xbd: {  	_ =	sfence  }
0xbe: {  	s30 =	sld [smem:$0x0];
	_ =	sdelay $0x2  }
0xbf: {  	s31 =	sshll.u32 s1, $0xD;
	s1 =	sshrl.u32 s1, $0x2  }
0xc0: {  	s3 =	sand.u32 $0x4000, s31;
	s1 =	sadd.s32 s1, s30  }
0xc1: {  	s0 =	sor.u32 s3, s0;
	s1 =	sshll.u32 s1, $0x11  }
0xc2: {  	s0 =	sor.u32 s1, s0  }
0xc3: {  	s0 =	sadd.s32 $0x8F2B, s0  }
0xc4: {  	[sflag:s0] =	ssyncadd.remote.s32 $0x1  }
0xc5: {  	_ =	sfence.sel $0xFFFF  }
0xc6: {  	[dreg:$0x0] =	wrdreg $0xFFFFFFFF;
	(pc) =	sbr.abs _section_cstart, $3  }
0xc7: {  	[dreg:$0x1] =	wrdreg $0xFFFFFFFF  }
0xc8: {  	_ =	task.clear_ibuf [dreg:s8], $0x2FFFF;
	_ =	strace $0x9FFFFFFF  }
0xc9: {  	(tm) =	ssettm $0x7FFFFFFF  }
tec
execute0_lowered:
.L_overlay_start_1:
0x0: {  	(tag) =	ssettag $0x1  }
0x1: {  	s1 =	rddreg [dreg:$0x0]  }
0x2: {  	s4 =	rddreg [dreg:$0x1]  }
0x3: {  	s11 =	rddreg [dreg:$0x2]  }
0x4: {  	s0 =	rddreg [dreg:$0x3];
	s2 =	simm.s32 $0x0  }
0x5: {  	s3 =	srdreg.scid;
	s15 =	simm.s32 $0x880;
	s16 =	simm.s32 $0x1080  }
0x6: {  	s17 =	simm.s32 $0x1880;
	s18 =	simm.s32 $0x2080;
	s19 =	simm.s32 $0x2880  }
0x7: {  	s20 =	simm.s32 $0x3080;
	s21 =	simm.s32 $0x3880;
	s22 =	simm.s32 $0x1  }
0x8: {  	[smem:$0x7FF] =	sst s2;
	s5 =	sand.u32 $0x1, s3;
	s3 =	stileid.u32  }
0x9: {  	s6 =	ssub.s32 $0x2, s5;
	s8 =	sshll.u32 s3, $0x9;
	s5 =	sshll.u32 s5, $0x8  }
0xa: {  	s10 =	sadd.s32 $0x1200, s4;
	s7 =	sshrl.u32 s6, $0x1;
	s8 =	sor.u32 s5, s8  }
0xb: {  	_ =	strace $0x80000047;
	s12 =	ssub.s32 s6, s7;
	s26 =	sshrl.u32 s8, $0x3  }
0xc: {  	s5 =	sshll.u32 s8, $0x5;
	s28 =	sor.u32 $0x40, s8;
	s9 =	sor.u32 $0x80, s8  }
0xd: {  	s14 =	sor.u32 $0xC0, s8;
	s4 =	sadd.s32 s10, s26;
	s5 =	sadd.s32 s11, s5  }
0xe: {  	s29 =	sshrl.u32 s28, $0x3;
	s7 =	sshll.u32 s28, $0x5;
	s13 =	sshrl.u32 s9, $0x3  }
0xf: {  	s9 =	sshll.u32 s9, $0x5;
	s30 =	sshrl.u32 s14, $0x3;
	s31 =	sshll.u32 s14, $0x5  }
0x10: {  	v2 =	vlaneseq.u32;
	s12 =	smax.u32 s12, $0x1;
	s14 =	simm.s32 $0x80;
	s6 =	sadd.s32 s10, s29  }
0x11: {  	vm0 =	vmmov $0xffff;
	v1 =	vshrl.u32 v2, $0x3;
	s7 =	sadd.s32 s11, s7;
	s8 =	sadd.s32 s10, s13;
	s9 =	sadd.s32 s11, s9  }
0x12: {  	v0 =	vand.u32 $0x7, v2;
	v2 =	vor.u32 $0x8, v2;
	v1 =	vmul.u32 $0x8, v1;
	s10 =	sadd.s32 s10, s30;
	s11 =	sadd.s32 s11, s31;
	s13 =	simm.s32 $0x2  }
.LBB2_1:
0x13: {  	[tilespmem:s2], [sflag:$0x2] =	stream.linear.gather [hbm4b:s4+s2], $0x40, $0x38;
	[tilespmem:$0x4080] =	vst v63  }
0x14: {  	_ =	swait.ge [sflag:s13], $0x40  }
0x15: {  	[sflag:s13] =	ssyncset.done $0x0  }
0x16: {  	[sflag:s13] =	ssyncadd.s32 $0xFFFFFFC0  }
0x17: {  	v3 =	vld [tilespmem:$0x0];
	_ =	sdelay $0x4  }
0x18: {  	v4 =	vshll.u32 v3, $0x1  }
0x19: {  	v3 =	vand.u32 $0x7, v3;
	v4 =	vand.u32 $0xFFFFFFF0, v4  }
0x1a: {  	v3 =	vor.u32 v3, v4  }
0x1b: {  	v4 =	vperm.xlane v3, v0;
	_ =	sdelay $0x1  }
0x1c: {  	v3 =	vperm.xlane v3, v2;
	v4 =	vadd.s32 v1, v4;
	_ =	sdelay $0x1  }
0x1d: {  	v3 =	vadd.s32 v1, v3;
	_ =	sdelay $0x2  }
0x1e: {  	[tilespmem:s14], [sflag:$0x1] =	stream.indirect_vreg.gather [hbm4b:s1+s2], $0x80, v4, vm0, $0xb8;
	[tilespmem:$0x4080] =	vst v63  }
0x1f: {  	_ = 	snop  }
0x20: {  	[tilespmem:s15], [sflag:$0x1] =	stream.indirect_vreg.gather [hbm4b:s1+s2], $0x80, v3, vm0, $0xb8;
	[tilespmem:$0x4080] =	vst v63  }
0x21: {  	v3 =	vld [tilespmem:$0x10];
	_ =	sdelay $0x4  }
0x22: {  	v49 =	vshll.u32 v3, $0x1  }
0x23: {  	v3 =	vand.u32 $0x7, v3;
	v4 =	vand.u32 $0xFFFFFFF0, v49  }
0x24: {  	v3 =	vor.u32 v3, v4  }
0x25: {  	v4 =	vperm.xlane v3, v0;
	_ =	sdelay $0x1  }
0x26: {  	v3 =	vperm.xlane v3, v2;
	v4 =	vadd.s32 v1, v4;
	_ =	sdelay $0x1  }
0x27: {  	v3 =	vadd.s32 v1, v3;
	_ =	sdelay $0x2  }
0x28: {  	[tilespmem:s16], [sflag:$0x1] =	stream.indirect_vreg.gather [hbm4b:s1+s2], $0x80, v4, vm0, $0xb8;
	[tilespmem:$0x4080] =	vst v63  }
0x29: {  	_ = 	snop  }
0x2a: {  	[tilespmem:s17], [sflag:$0x1] =	stream.indirect_vreg.gather [hbm4b:s1+s2], $0x80, v3, vm0, $0xb8;
	[tilespmem:$0x4080] =	vst v63  }
0x2b: {  	v3 =	vld [tilespmem:$0x20];
	_ =	sdelay $0x4  }
0x2c: {  	v50 =	vshll.u32 v3, $0x1  }
0x2d: {  	v3 =	vand.u32 $0x7, v3;
	v4 =	vand.u32 $0xFFFFFFF0, v50  }
0x2e: {  	v3 =	vor.u32 v3, v4  }
0x2f: {  	v4 =	vperm.xlane v3, v0;
	_ =	sdelay $0x1  }
0x30: {  	v3 =	vperm.xlane v3, v2;
	v4 =	vadd.s32 v1, v4;
	_ =	sdelay $0x1  }
0x31: {  	v3 =	vadd.s32 v1, v3;
	_ =	sdelay $0x2  }
0x32: {  	[tilespmem:s18], [sflag:$0x1] =	stream.indirect_vreg.gather [hbm4b:s1+s2], $0x80, v4, vm0, $0xb8;
	[tilespmem:$0x4080] =	vst v63  }
0x33: {  	_ = 	snop  }
0x34: {  	[tilespmem:s19], [sflag:$0x1] =	stream.indirect_vreg.gather [hbm4b:s1+s2], $0x80, v3, vm0, $0xb8;
	[tilespmem:$0x4080] =	vst v63  }
0x35: {  	v3 =	vld [tilespmem:$0x30];
	_ =	sdelay $0x4  }
0x36: {  	v51 =	vshll.u32 v3, $0x1  }
0x37: {  	v3 =	vand.u32 $0x7, v3;
	v4 =	vand.u32 $0xFFFFFFF0, v51  }
0x38: {  	v3 =	vor.u32 v3, v4  }
0x39: {  	v4 =	vperm.xlane v3, v0;
	_ =	sdelay $0x1  }
0x3a: {  	v3 =	vperm.xlane v3, v2;
	v4 =	vadd.s32 v1, v4;
	_ =	sdelay $0x1  }
0x3b: {  	v3 =	vadd.s32 v1, v3;
	_ =	sdelay $0x2  }
0x3c: {  	[tilespmem:s20], [sflag:$0x1] =	stream.indirect_vreg.gather [hbm4b:s1+s2], $0x80, v4, vm0, $0xb8;
	[tilespmem:$0x4080] =	vst v63  }
0x3d: {  	_ = 	snop  }
0x3e: {  	[tilespmem:s21], [sflag:$0x1] =	stream.indirect_vreg.gather [hbm4b:s1+s2], $0x80, v3, vm0, $0xb8;
	[tilespmem:$0x4080] =	vst v63  }
0x3f: {  	_ =	swait.ge [sflag:s22], $0x4000  }
0x40: {  	[sflag:s22] =	ssyncset.done $0x0  }
0x41: {  	[sflag:s22] =	ssyncadd.s32 $0xFFFFC000  }
0x42: {  	[hbm4b:s5+s2] =	stream.linear.scatter [tilespmem:s14], [sflag:$0x2], $0x4000, $0x38;
	[tilespmem:$0x4080] =	vst v63  }
0x43: {  	_ =	swait.ge [sflag:s13], $0x4000  }
0x44: {  	[sflag:s13] =	ssyncset.done $0x0  }
0x45: {  	[sflag:s13] =	ssyncadd.s32 $0xFFFFC000  }
0x46: {  	[tilespmem:s2], [sflag:$0x2] =	stream.linear.gather [hbm4b:s6+s2], $0x40, $0x38;
	[tilespmem:$0x4080] =	vst v63  }
0x47: {  	_ =	swait.ge [sflag:s13], $0x40  }
0x48: {  	[sflag:s13] =	ssyncset.done $0x0  }
0x49: {  	[sflag:s13] =	ssyncadd.s32 $0xFFFFFFC0  }
0x4a: {  	v3 =	vld [tilespmem:$0x0];
	_ =	sdelay $0x4  }
0x4b: {  	v52 =	vshll.u32 v3, $0x1  }
0x4c: {  	v3 =	vand.u32 $0x7, v3;
	v4 =	vand.u32 $0xFFFFFFF0, v52  }
0x4d: {  	v3 =	vor.u32 v3, v4  }
0x4e: {  	v4 =	vperm.xlane v3, v0;
	_ =	sdelay $0x1  }
0x4f: {  	v3 =	vperm.xlane v3, v2;
	v4 =	vadd.s32 v1, v4;
	_ =	sdelay $0x1  }
0x50: {  	v3 =	vadd.s32 v1, v3;
	_ =	sdelay $0x2  }
0x51: {  	[tilespmem:s14], [sflag:$0x1] =	stream.indirect_vreg.gather [hbm4b:s1+s2], $0x80, v4, vm0, $0xb8;
	[tilespmem:$0x4080] =	vst v63  }
0x52: {  	_ = 	snop  }
0x53: {  	[tilespmem:s15], [sflag:$0x1] =	stream.indirect_vreg.gather [hbm4b:s1+s2], $0x80, v3, vm0, $0xb8;
	[tilespmem:$0x4080] =	vst v63  }
0x54: {  	v3 =	vld [tilespmem:$0x10];
	_ =	sdelay $0x4  }
0x55: {  	v53 =	vshll.u32 v3, $0x1  }
0x56: {  	v3 =	vand.u32 $0x7, v3;
	v4 =	vand.u32 $0xFFFFFFF0, v53  }
0x57: {  	v3 =	vor.u32 v3, v4  }
0x58: {  	v4 =	vperm.xlane v3, v0;
	_ =	sdelay $0x1  }
0x59: {  	v3 =	vperm.xlane v3, v2;
	v4 =	vadd.s32 v1, v4;
	_ =	sdelay $0x1  }
0x5a: {  	v3 =	vadd.s32 v1, v3;
	_ =	sdelay $0x2  }
0x5b: {  	[tilespmem:s16], [sflag:$0x1] =	stream.indirect_vreg.gather [hbm4b:s1+s2], $0x80, v4, vm0, $0xb8;
	[tilespmem:$0x4080] =	vst v63  }
0x5c: {  	_ = 	snop  }
0x5d: {  	[tilespmem:s17], [sflag:$0x1] =	stream.indirect_vreg.gather [hbm4b:s1+s2], $0x80, v3, vm0, $0xb8;
	[tilespmem:$0x4080] =	vst v63  }
0x5e: {  	v3 =	vld [tilespmem:$0x20];
	_ =	sdelay $0x4  }
0x5f: {  	v54 =	vshll.u32 v3, $0x1  }
0x60: {  	v3 =	vand.u32 $0x7, v3;
	v4 =	vand.u32 $0xFFFFFFF0, v54  }
0x61: {  	v3 =	vor.u32 v3, v4  }
0x62: {  	v4 =	vperm.xlane v3, v0;
	_ =	sdelay $0x1  }
0x63: {  	v3 =	vperm.xlane v3, v2;
	v4 =	vadd.s32 v1, v4;
	_ =	sdelay $0x1  }
0x64: {  	v3 =	vadd.s32 v1, v3;
	_ =	sdelay $0x2  }
0x65: {  	[tilespmem:s18], [sflag:$0x1] =	stream.indirect_vreg.gather [hbm4b:s1+s2], $0x80, v4, vm0, $0xb8;
	[tilespmem:$0x4080] =	vst v63  }
0x66: {  	_ = 	snop  }
0x67: {  	[tilespmem:s19], [sflag:$0x1] =	stream.indirect_vreg.gather [hbm4b:s1+s2], $0x80, v3, vm0, $0xb8;
	[tilespmem:$0x4080] =	vst v63  }
0x68: {  	v3 =	vld [tilespmem:$0x30];
	_ =	sdelay $0x4  }
0x69: {  	v55 =	vshll.u32 v3, $0x1  }
0x6a: {  	v3 =	vand.u32 $0x7, v3;
	v4 =	vand.u32 $0xFFFFFFF0, v55  }
0x6b: {  	v3 =	vor.u32 v3, v4  }
0x6c: {  	v4 =	vperm.xlane v3, v0;
	_ =	sdelay $0x1  }
0x6d: {  	v3 =	vperm.xlane v3, v2;
	v4 =	vadd.s32 v1, v4;
	_ =	sdelay $0x1  }
0x6e: {  	v3 =	vadd.s32 v1, v3;
	_ =	sdelay $0x2  }
0x6f: {  	[tilespmem:s20], [sflag:$0x1] =	stream.indirect_vreg.gather [hbm4b:s1+s2], $0x80, v4, vm0, $0xb8;
	[tilespmem:$0x4080] =	vst v63  }
0x70: {  	_ = 	snop  }
0x71: {  	[tilespmem:s21], [sflag:$0x1] =	stream.indirect_vreg.gather [hbm4b:s1+s2], $0x80, v3, vm0, $0xb8;
	[tilespmem:$0x4080] =	vst v63  }
0x72: {  	_ =	swait.ge [sflag:s22], $0x4000  }
0x73: {  	[sflag:s22] =	ssyncset.done $0x0  }
0x74: {  	[sflag:s22] =	ssyncadd.s32 $0xFFFFC000  }
0x75: {  	[hbm4b:s7+s2] =	stream.linear.scatter [tilespmem:s14], [sflag:$0x2], $0x4000, $0x38;
	[tilespmem:$0x4080] =	vst v63  }
0x76: {  	_ =	swait.ge [sflag:s13], $0x4000  }
0x77: {  	[sflag:s13] =	ssyncset.done $0x0  }
0x78: {  	[sflag:s13] =	ssyncadd.s32 $0xFFFFC000  }
0x79: {  	[tilespmem:s2], [sflag:$0x2] =	stream.linear.gather [hbm4b:s8+s2], $0x40, $0x38;
	[tilespmem:$0x4080] =	vst v63  }
0x7a: {  	_ =	swait.ge [sflag:s13], $0x40  }
0x7b: {  	[sflag:s13] =	ssyncset.done $0x0  }
0x7c: {  	[sflag:s13] =	ssyncadd.s32 $0xFFFFFFC0  }
0x7d: {  	v3 =	vld [tilespmem:$0x0];
	_ =	sdelay $0x4  }
0x7e: {  	v56 =	vshll.u32 v3, $0x1  }
0x7f: {  	v3 =	vand.u32 $0x7, v3;
	v4 =	vand.u32 $0xFFFFFFF0, v56  }
0x80: {  	v3 =	vor.u32 v3, v4  }
0x81: {  	v4 =	vperm.xlane v3, v0;
	_ =	sdelay $0x1  }
0x82: {  	v3 =	vperm.xlane v3, v2;
	v4 =	vadd.s32 v1, v4;
	_ =	sdelay $0x1  }
0x83: {  	v3 =	vadd.s32 v1, v3;
	_ =	sdelay $0x2  }
0x84: {  	[tilespmem:s14], [sflag:$0x1] =	stream.indirect_vreg.gather [hbm4b:s1+s2], $0x80, v4, vm0, $0xb8;
	[tilespmem:$0x4080] =	vst v63  }
0x85: {  	_ = 	snop  }
0x86: {  	[tilespmem:s15], [sflag:$0x1] =	stream.indirect_vreg.gather [hbm4b:s1+s2], $0x80, v3, vm0, $0xb8;
	[tilespmem:$0x4080] =	vst v63  }
0x87: {  	v3 =	vld [tilespmem:$0x10];
	_ =	sdelay $0x4  }
0x88: {  	v57 =	vshll.u32 v3, $0x1  }
0x89: {  	v3 =	vand.u32 $0x7, v3;
	v4 =	vand.u32 $0xFFFFFFF0, v57  }
0x8a: {  	v3 =	vor.u32 v3, v4  }
0x8b: {  	v4 =	vperm.xlane v3, v0;
	_ =	sdelay $0x1  }
0x8c: {  	v3 =	vperm.xlane v3, v2;
	v4 =	vadd.s32 v1, v4;
	_ =	sdelay $0x1  }
0x8d: {  	v3 =	vadd.s32 v1, v3;
	_ =	sdelay $0x2  }
0x8e: {  	[tilespmem:s16], [sflag:$0x1] =	stream.indirect_vreg.gather [hbm4b:s1+s2], $0x80, v4, vm0, $0xb8;
	[tilespmem:$0x4080] =	vst v63  }
0x8f: {  	_ = 	snop  }
0x90: {  	[tilespmem:s17], [sflag:$0x1] =	stream.indirect_vreg.gather [hbm4b:s1+s2], $0x80, v3, vm0, $0xb8;
	[tilespmem:$0x4080] =	vst v63  }
0x91: {  	v3 =	vld [tilespmem:$0x20];
	_ =	sdelay $0x4  }
0x92: {  	v58 =	vshll.u32 v3, $0x1  }
0x93: {  	v3 =	vand.u32 $0x7, v3;
	v4 =	vand.u32 $0xFFFFFFF0, v58  }
0x94: {  	v3 =	vor.u32 v3, v4  }
0x95: {  	v4 =	vperm.xlane v3, v0;
	_ =	sdelay $0x1  }
0x96: {  	v3 =	vperm.xlane v3, v2;
	v4 =	vadd.s32 v1, v4;
	_ =	sdelay $0x1  }
0x97: {  	v3 =	vadd.s32 v1, v3;
	_ =	sdelay $0x2  }
0x98: {  	[tilespmem:s18], [sflag:$0x1] =	stream.indirect_vreg.gather [hbm4b:s1+s2], $0x80, v4, vm0, $0xb8;
	[tilespmem:$0x4080] =	vst v63  }
0x99: {  	_ = 	snop  }
0x9a: {  	[tilespmem:s19], [sflag:$0x1] =	stream.indirect_vreg.gather [hbm4b:s1+s2], $0x80, v3, vm0, $0xb8;
	[tilespmem:$0x4080] =	vst v63  }
0x9b: {  	v3 =	vld [tilespmem:$0x30];
	_ =	sdelay $0x4  }
0x9c: {  	v59 =	vshll.u32 v3, $0x1  }
0x9d: {  	v3 =	vand.u32 $0x7, v3;
	v4 =	vand.u32 $0xFFFFFFF0, v59  }
0x9e: {  	v3 =	vor.u32 v3, v4  }
0x9f: {  	v4 =	vperm.xlane v3, v0;
	_ =	sdelay $0x1  }
0xa0: {  	v3 =	vperm.xlane v3, v2;
	v4 =	vadd.s32 v1, v4;
	_ =	sdelay $0x1  }
0xa1: {  	v3 =	vadd.s32 v1, v3;
	_ =	sdelay $0x2  }
0xa2: {  	[tilespmem:s20], [sflag:$0x1] =	stream.indirect_vreg.gather [hbm4b:s1+s2], $0x80, v4, vm0, $0xb8;
	[tilespmem:$0x4080] =	vst v63  }
0xa3: {  	_ = 	snop  }
0xa4: {  	[tilespmem:s21], [sflag:$0x1] =	stream.indirect_vreg.gather [hbm4b:s1+s2], $0x80, v3, vm0, $0xb8;
	[tilespmem:$0x4080] =	vst v63  }
0xa5: {  	_ =	swait.ge [sflag:s22], $0x4000  }
0xa6: {  	[sflag:s22] =	ssyncset.done $0x0  }
0xa7: {  	[sflag:s22] =	ssyncadd.s32 $0xFFFFC000  }
0xa8: {  	[hbm4b:s9+s2] =	stream.linear.scatter [tilespmem:s14], [sflag:$0x2], $0x4000, $0x38;
	[tilespmem:$0x4080] =	vst v63  }
0xa9: {  	_ =	swait.ge [sflag:s13], $0x4000  }
0xaa: {  	[sflag:s13] =	ssyncset.done $0x0  }
0xab: {  	[sflag:s13] =	ssyncadd.s32 $0xFFFFC000  }
0xac: {  	[tilespmem:s2], [sflag:$0x2] =	stream.linear.gather [hbm4b:s10+s2], $0x40, $0x38;
	[tilespmem:$0x4080] =	vst v63  }
0xad: {  	_ =	swait.ge [sflag:s13], $0x40  }
0xae: {  	[sflag:s13] =	ssyncset.done $0x0  }
0xaf: {  	[sflag:s13] =	ssyncadd.s32 $0xFFFFFFC0  }
0xb0: {  	v3 =	vld [tilespmem:$0x0];
	_ =	sdelay $0x4  }
0xb1: {  	v60 =	vshll.u32 v3, $0x1  }
0xb2: {  	v3 =	vand.u32 $0x7, v3;
	v4 =	vand.u32 $0xFFFFFFF0, v60  }
0xb3: {  	v3 =	vor.u32 v3, v4  }
0xb4: {  	v4 =	vperm.xlane v3, v0;
	_ =	sdelay $0x1  }
0xb5: {  	v3 =	vperm.xlane v3, v2;
	v4 =	vadd.s32 v1, v4;
	_ =	sdelay $0x1  }
0xb6: {  	v3 =	vadd.s32 v1, v3;
	_ =	sdelay $0x2  }
0xb7: {  	[tilespmem:s14], [sflag:$0x1] =	stream.indirect_vreg.gather [hbm4b:s1+s2], $0x80, v4, vm0, $0xb8;
	[tilespmem:$0x4080] =	vst v63  }
0xb8: {  	_ = 	snop  }
0xb9: {  	[tilespmem:s15], [sflag:$0x1] =	stream.indirect_vreg.gather [hbm4b:s1+s2], $0x80, v3, vm0, $0xb8;
	[tilespmem:$0x4080] =	vst v63  }
0xba: {  	v3 =	vld [tilespmem:$0x10];
	_ =	sdelay $0x4  }
0xbb: {  	v61 =	vshll.u32 v3, $0x1  }
0xbc: {  	v3 =	vand.u32 $0x7, v3;
	v4 =	vand.u32 $0xFFFFFFF0, v61  }
0xbd: {  	v3 =	vor.u32 v3, v4  }
0xbe: {  	v4 =	vperm.xlane v3, v0;
	_ =	sdelay $0x1  }
0xbf: {  	v3 =	vperm.xlane v3, v2;
	v4 =	vadd.s32 v1, v4;
	_ =	sdelay $0x1  }
0xc0: {  	v3 =	vadd.s32 v1, v3;
	_ =	sdelay $0x2  }
0xc1: {  	[tilespmem:s16], [sflag:$0x1] =	stream.indirect_vreg.gather [hbm4b:s1+s2], $0x80, v4, vm0, $0xb8;
	[tilespmem:$0x4080] =	vst v63  }
0xc2: {  	_ = 	snop  }
0xc3: {  	[tilespmem:s17], [sflag:$0x1] =	stream.indirect_vreg.gather [hbm4b:s1+s2], $0x80, v3, vm0, $0xb8;
	[tilespmem:$0x4080] =	vst v63  }
0xc4: {  	v3 =	vld [tilespmem:$0x20];
	_ =	sdelay $0x4  }
0xc5: {  	v62 =	vshll.u32 v3, $0x1  }
0xc6: {  	v3 =	vand.u32 $0x7, v3;
	v4 =	vand.u32 $0xFFFFFFF0, v62  }
0xc7: {  	v3 =	vor.u32 v3, v4  }
0xc8: {  	v4 =	vperm.xlane v3, v0;
	_ =	sdelay $0x1  }
0xc9: {  	v3 =	vperm.xlane v3, v2;
	v4 =	vadd.s32 v1, v4;
	_ =	sdelay $0x1  }
0xca: {  	v3 =	vadd.s32 v1, v3;
	_ =	sdelay $0x2  }
0xcb: {  	[tilespmem:s18], [sflag:$0x1] =	stream.indirect_vreg.gather [hbm4b:s1+s2], $0x80, v4, vm0, $0xb8;
	[tilespmem:$0x4080] =	vst v63  }
0xcc: {  	_ = 	snop  }
0xcd: {  	[tilespmem:s19], [sflag:$0x1] =	stream.indirect_vreg.gather [hbm4b:s1+s2], $0x80, v3, vm0, $0xb8;
	[tilespmem:$0x4080] =	vst v63  }
0xce: {  	v3 =	vld [tilespmem:$0x30];
	_ =	sdelay $0x4  }
0xcf: {  	v63 =	vshll.u32 v3, $0x1  }
0xd0: {  	v3 =	vand.u32 $0x7, v3;
	v4 =	vand.u32 $0xFFFFFFF0, v63  }
0xd1: {  	v3 =	vor.u32 v3, v4  }
0xd2: {  	v4 =	vperm.xlane v3, v0;
	_ =	sdelay $0x1  }
0xd3: {  	v3 =	vperm.xlane v3, v2;
	v4 =	vadd.s32 v1, v4;
	_ =	sdelay $0x1  }
0xd4: {  	v3 =	vadd.s32 v1, v3;
	_ =	sdelay $0x2  }
0xd5: {  	[tilespmem:s20], [sflag:$0x1] =	stream.indirect_vreg.gather [hbm4b:s1+s2], $0x80, v4, vm0, $0xb8;
	[tilespmem:$0x4080] =	vst v63  }
0xd6: {  	_ = 	snop  }
0xd7: {  	[tilespmem:s21], [sflag:$0x1] =	stream.indirect_vreg.gather [hbm4b:s1+s2], $0x80, v3, vm0, $0xb8;
	[tilespmem:$0x4080] =	vst v63  }
0xd8: {  	_ =	swait.ge [sflag:s22], $0x4000  }
0xd9: {  	p0 =	sne.s32 s12, $0x1;
	[sflag:s22] =	ssyncset.done $0x0  }
.Ltmp0:
0xda: {  	[sflag:s22] =	ssyncadd.s32 $0xFFFFC000;
	(pc) =	sbr.rel @p0 .LBB2_1-.Ltmp0, $4  }
0xdb: {  	[hbm4b:s11+s2] =	stream.linear.scatter [tilespmem:s14], [sflag:$0x2], $0x4000, $0x38;
	[tilespmem:$0x4080] =	vst v63  }
0xdc: {  	_ =	swait.ge [sflag:s13], $0x4000  }
0xdd: {  	[sflag:s13] =	ssyncset.done $0x0  }
0xde: {  	s12 =	sadd.s32 $0xFFFFFFFF, s12;
	[sflag:s13] =	ssyncadd.s32 $0xFFFFC000  }
0xdf: {  	_ =	sfence.sel $0x180000  }
0xe0: {  	[bflag:$0x0] =	sbarrier.arrive $0xFFFF  }
0xe1: {  	p0 =	sne.s32 s3, $0x0;
	_ =	strace $0x90000047  }
0xe2: {  	s0 =	sadd.s32 @!p0 $0x100000, s0;
	[bflag:$0x2] =	sbarrier.arrive $0xFFFF  }
0xe3: {  	[sflag:s0] =	ssyncadd.tile.s32 @!p0 $0x1;
	_ =	shalt  }
.Lfunc_end2:
_tile_overlayer_lowered:
.L_overlay_start_2:
0xe4: {  	(tag) =	ssettag $0x2  }
0xe5: {  	s0 =	rddreg [dreg:$0x0];
	s2 =	stileid.u32  }
0xe6: {  	s1 =	rddreg [dreg:$0x1];
	p0 =	sne.s32 s2, $0x0  }
0xe7: {  	s3 =	rddreg [dreg:$0x2];
	[bflag:$0x3] =	sbarrier.arrive $0xFFFF;
	s2 =	simm.s32 @!p0 $0x1C02  }
0xe8: {  	[timem:s3], [sflag:s2] =	dma.local @!p0 [hbm:s0], s1  }
0xe9: {  	s0 =	simm.s32 @!p0 $0x2  }
0xea: {  	_ =	swait.ge @!p0 [sflag:s0], s1  }
0xeb: {  	s1 =	ssub.s32 @!p0 $0x0, s1;
	[sflag:s0] =	ssyncset.done @!p0 $0x0  }
0xec: {  	[sflag:s0] =	ssyncadd.s32 @!p0 s1  }
0xed: {  	[bflag:$0x3] =	sbarrier.arrive $0xFFFF  }
0xee: {  	_ =	shalt  }

</sc_bundles>
